<compile_context>
chip_gen: v7x
topology: tpu7x:2x2x1
jax: 0.10.2.dev20260603
libtpu: 0.0.44.dev20260713+nightly
codegen_flags: <defaults>
</compile_context>

<pallas_src>
import functools

import jax
import jax.numpy as jnp
from jax import lax
from jax.experimental import pallas as pl
from jax.experimental.pallas import tpu as pltpu
from jax.experimental.pallas import tpu_sc as plsc

B, C, H, W = 4, 19, 512, 512
N = B * H * W
K = 2048
TRASH = 2 * K
S = 4225
HWORDS = 16 * S
SEG_PER_CLASS = 8
SEG = N // SEG_PER_CLASS
NSEG = C * SEG_PER_CLASS
NWORKERS = 32
ROUNDS = (NSEG + NWORKERS - 1) // NWORKERS
CH = 16384
NPAIR = SEG // (2 * CH)
ROWS_BLK = 64


def _encode_body(logits_ref, labels_ref, out_ref):
    x = logits_ref[0]
    lab = labels_ref[0]
    m = jnp.max(x, axis=0)
    ex = jnp.exp(x - m[None])
    inv = 1.0 / jnp.sum(ex, axis=0)
    p = ex * inv[None]
    valid = lab != 0
    cidx = lax.broadcasted_iota(jnp.int32, (C, ROWS_BLK, W), 0)
    fg = (lab[None] == cidx) & valid[None]
    e = jnp.where(fg, 1.0 - p, p)
    bucket = jnp.clip((e * float(K)).astype(jnp.int32), 0, K - 1)
    code = jnp.where(fg, K + bucket, bucket)
    code = jnp.where(valid[None], code, TRASH)
    wio = lax.broadcasted_iota(jnp.int32, (ROWS_BLK, W), 1)
    lane = (wio % 16 + (wio // 16)) % 16
    sidx = code + (lane * S)[None]
    out_ref[...] = sidx.reshape(C, ROWS_BLK * W // 128, 128)


def _encode(logits, labels):
    grid = (B, H // ROWS_BLK)
    return pl.pallas_call(
        _encode_body,
        grid=grid,
        in_specs=[
            pl.BlockSpec((1, C, ROWS_BLK, W), lambda b, r: (b, 0, r, 0)),
            pl.BlockSpec((1, ROWS_BLK, W), lambda b, r: (b, r, 0)),
        ],
        out_specs=pl.BlockSpec(
            (C, ROWS_BLK * W // 128, 128),
            lambda b, r: (0, b * (H // ROWS_BLK) + r, 0)),
        out_shape=jax.ShapeDtypeStruct((C, N // 128, 128), jnp.int32),
    )(logits, labels)


def _sc_hist_body(sidx_hbm, out_hbm, hist, buf0, buf1, sem0, sem1):
    wid = lax.axis_index("s") * 2 + lax.axis_index("c")
    ones = jnp.ones((16,), jnp.int32)
    zeros = jnp.zeros((16,), jnp.int32)

    def zero_hist():
        @plsc.parallel_loop(0, HWORDS // 16, unroll=8)
        def _(i):
            hist[pl.ds(i * 16, 16)] = zeros

    def scat_all(buf):
        @plsc.parallel_loop(0, CH // 16, unroll=16)
        def _(i):
            idx = buf[pl.ds(i * 16, 16)]
            plsc.addupdate_scatter(hist, [idx], ones)

    def wait_dma(buf, sem):
        pltpu.make_async_copy(sidx_hbm.at[pl.ds(0, CH)], buf, sem).wait()

    zero_hist()
    first = wid * SEG
    pltpu.async_copy(sidx_hbm.at[pl.ds(first, CH)], buf0, sem0)

    for r in range(ROUNDS):
        s = wid + r * NWORKERS

        @pl.when(s < NSEG)
        def _():
            base = s * SEG

            def pair(jp, _):
                off = base + jp * (2 * CH)
                pltpu.async_copy(sidx_hbm.at[pl.ds(off + CH, CH)], buf1, sem1)
                wait_dma(buf0, sem0)
                scat_all(buf0)

                @pl.when(jp < NPAIR - 1)
                def _():
                    pltpu.async_copy(
                        sidx_hbm.at[pl.ds(off + 2 * CH, CH)], buf0, sem0)

                @pl.when((jp == NPAIR - 1) & (s + NWORKERS < NSEG))
                def _():
                    pltpu.async_copy(
                        sidx_hbm.at[pl.ds((s + NWORKERS) * SEG, CH)],
                        buf0, sem0)

                wait_dma(buf1, sem1)
                scat_all(buf1)
                return _

            lax.fori_loop(0, NPAIR, pair, None)
            pltpu.sync_copy(hist, out_hbm.at[s])
            zero_hist()


def _sc_hist(sidx_flat):
    mesh = plsc.VectorSubcoreMesh(core_axis_name="c", subcore_axis_name="s")
    fn = functools.partial(
        pl.kernel,
        mesh=mesh,
        out_type=jax.ShapeDtypeStruct((NSEG, HWORDS), jnp.int32),
        scratch_types=[
            pltpu.VMEM((HWORDS,), jnp.int32),
            pltpu.VMEM((CH,), jnp.int32),
            pltpu.VMEM((CH,), jnp.int32),
            pltpu.SemaphoreType.DMA,
            pltpu.SemaphoreType.DMA,
        ],
        compiler_params=pltpu.CompilerParams(
            needs_layout_passes=False, use_tc_tiling_on_sc=True),
    )(_sc_hist_body)
    return fn(sidx_flat)


def _finalize_body(part_ref, out_ref, acc_ref):
    c = pl.program_id(0)
    q = part_ref[0].astype(jnp.float32)
    cnt = jnp.sum(q, axis=0)
    f2 = cnt[K:2 * K].reshape(16, 128)
    n2 = cnt[0:K].reshape(16, 128) + f2

    io = lax.broadcasted_iota(jnp.int32, (128, 128), 0)
    jo = lax.broadcasted_iota(jnp.int32, (128, 128), 1)
    tri_incl = (io >= jo).astype(jnp.float32)
    wn = jnp.dot(n2, tri_incl, preferred_element_type=jnp.float32)
    wf = jnp.dot(f2, tri_incl, preferred_element_type=jnp.float32)
    totn = wn[:, 0:1]
    totf = wf[:, 0:1]
    ia = lax.broadcasted_iota(jnp.int32, (16, 16), 0)
    ja = lax.broadcasted_iota(jnp.int32, (16, 16), 1)
    tri_after = (ja > ia).astype(jnp.float32)
    san = jnp.dot(tri_after, totn, preferred_element_type=jnp.float32)
    saf = jnp.dot(tri_after, totf, preferred_element_type=jnp.float32)
    nn = wn + san
    pp = wf + saf
    g = pp[0, 0]
    jac = 1.0 - (g - pp) / jnp.maximum(g + nn - pp, 1.0)
    loss_c = (jnp.sum(jac) - 0.5 * jac[0, 0]) * (1.0 / float(K))
    present = (g > 0.0).astype(jnp.float32)

    @pl.when(c == 0)
    def _():
        acc_ref[0] = 0.0
        acc_ref[1] = 0.0
        out_ref[0, 0] = 0.0

    acc_ref[0] += loss_c * present
    acc_ref[1] += present

    @pl.when(c == C - 1)
    def _():
        out_ref[0, 0] = acc_ref[0] / jnp.maximum(acc_ref[1], 1.0)


def _finalize(part):
    return pl.pallas_call(
        _finalize_body,
        grid=(C,),
        in_specs=[pl.BlockSpec((1, 128, S), lambda c: (c, 0, 0))],
        out_specs=pl.BlockSpec(memory_space=pltpu.SMEM),
        out_shape=jax.ShapeDtypeStruct((1, 1), jnp.float32),
        scratch_shapes=[pltpu.SMEM((2,), jnp.float32)],
    )(part)


def kernel(logits, labels):
    labels = labels.astype(jnp.int32)
    sidx = _encode(logits, labels)
    part = _sc_hist(sidx.reshape(-1))
    loss = _finalize(part.reshape(C, 128, S))
    return loss[0, 0]

# --- scband reference (transcript-rebuilt; emitter-appended) ---
"""Pipeline reference for scband-lovasz-softmax-5222680232275 (READ-ONLY COPY).

The authoritative reference and input builder live on the scoring server;
editing this copy changes nothing except your own understanding.
"""

import jax, jax.numpy as jnp
import numpy as np

B, C, H, W = 4, 19, 512, 512
IGNORE = 0


def setup_inputs(seed: int = 0) -> dict:
    key = jax.random.key(seed)
    k1, k2 = jax.random.split(key)
    logits = jax.random.normal(k1, (B, C, H, W), dtype=jnp.float32)
    labels = jax.random.randint(k2, (B, H, W), 0, 19, dtype=jnp.int64)
    return {"logits": logits, "labels": labels}


def _lovasz_grad(gt_sorted):
    gts = gt_sorted.sum()
    intersection = gts - jnp.cumsum(gt_sorted)
    union = gts + jnp.cumsum(1.0 - gt_sorted)
    jaccard = 1.0 - intersection / union
    jaccard = jnp.concatenate([jaccard[:1], jaccard[1:] - jaccard[:-1]])
    return jaccard


def _lovasz_softmax(logits, labels):
    probas = jax.nn.softmax(logits, axis=1)
    b, c, h, w = probas.shape
    probas_f = jnp.transpose(probas, (0, 2, 3, 1)).reshape(-1, c)
    labels_f = labels.reshape(-1)
    valid = labels_f != IGNORE
    validf = valid.astype(probas_f.dtype)
    loss_sum = jnp.zeros((), dtype=probas_f.dtype)
    cnt = jnp.zeros((), dtype=probas_f.dtype)
    for cls in range(c):
        fg = ((labels_f == cls) & valid).astype(probas_f.dtype)
        present = (fg.sum() > 0).astype(probas_f.dtype)
        class_pred = probas_f[:, cls]
        # invalid (ignored) pixels get error 0 and fg 0, so they sort to the
        # tail in descending order and contribute 0 to the dot product --
        # equivalent to filtering them out as in the torch reference.
        errors = jnp.abs(fg - class_pred) * validf
        perm = jnp.argsort(-errors)
        errors_sorted = errors[perm]
        fg_sorted = fg[perm]
        g = jax.lax.stop_gradient(_lovasz_grad(fg_sorted))
        loss_c = jnp.dot(errors_sorted, g)
        loss_sum = loss_sum + loss_c * present
        cnt = cnt + present
    return loss_sum / jnp.maximum(cnt, 1.0)


def reference(logits, labels):
    return _lovasz_softmax(logits, labels)

if __name__ == "__main__":
    import jax
    _d = setup_inputs()
    print(jax.jit(kernel)(*tuple(_d.values())))

</pallas_src>

<mosaic_0001>
#map = affine_map<(d0, d1) -> (0)>
#map1 = affine_map<(d0, d1) -> (0, 0)>
module attributes {stable_mosaic.version = 14 : i64} {
  func.func @_sc_hist_body(%arg0: i32, %arg1: i32, %arg2: memref<19922944xi32, #tpu.memory_space<hbm>>, %arg3: memref<152x67600xi32, #tpu.memory_space<hbm>>, %arg4: memref<67600xi32, #tpu.memory_space<vmem>>, %arg5: memref<16384xi32, #tpu.memory_space<vmem>>, %arg6: memref<16384xi32, #tpu.memory_space<vmem>>, %arg7: memref<!tpu.dma_semaphore, #tpu.memory_space<semaphore_mem>>, %arg8: memref<!tpu.dma_semaphore, #tpu.memory_space<semaphore_mem>>) attributes {dimension_semantics = [#tpu.dimension_semantics<core_parallel>, #tpu.dimension_semantics<subcore_parallel>], iteration_bounds = array<i64: 2, 16>, scalar_prefetch = 0 : i64, scratch_operands = 5 : i64, tpu.core_type = #tpu.core_type<sc_vector_subcore>, window_params = [{transform_indices = #map}, {transform_indices = #map1}]} {
    %mul3A = arith.constant 2 : i32
    %mul3A_0 = arith.muli %arg1, %mul3A : i32
    %add3A = arith.addi %mul3A_0, %arg0 : i32
    %broadcast_in_dim3A = arith.constant 1 : i32
    %broadcast_in_dim3A_1 = vector.broadcast %broadcast_in_dim3A : i32 to vector<16xi32>
    %broadcast_in_dim3A_2 = arith.constant 0 : i32
    %broadcast_in_dim3A_3 = vector.broadcast %broadcast_in_dim3A_2 : i32 to vector<16xi32>
    %parallel_loop3A = arith.constant 0 : i32
    %parallel_loop3A_4 = arith.constant 4225 : i32
    %parallel_loop3A_5 = arith.constant 1 : i32
    scf.for %parallel_loop3A_41 = %parallel_loop3A to %parallel_loop3A_4 step %parallel_loop3A_5  : i32 {
      %parallel_loop3A_42 = arith.constant 16 : i32
      %parallel_loop3A_43 = arith.muli %parallel_loop3A_41, %parallel_loop3A_42 : i32
      %parallel_loop3A_44 = arith.index_cast %parallel_loop3A_43 : i32 to index
      %parallel_loop3A_45 = tpu.vector_load %arg4[%parallel_loop3A_44] {strides = array<i32>} : memref<67600xi32, #tpu.memory_space<vmem>>, vector<16xi32>,
      tpu.vector_store %arg4[%parallel_loop3A_44], %broadcast_in_dim3A_3 {strides = array<i32>} : memref<67600xi32, #tpu.memory_space<vmem>>, vector<16xi32>,
    } {sc.loop_unroll_factor = 8 : i64, sc.parallel_access}
    %mul3A_6 = arith.constant 131072 : i32
    %mul3A_7 = arith.muli %add3A, %mul3A_6 : i32
    %dma_start3A = tpu.memref_slice %arg2[%mul3A_7] : memref<19922944xi32, #tpu.memory_space<hbm>> -> memref<16384xi32, #tpu.memory_space<hbm>>
    %dma_start3A_8 = tpu.memref_slice %arg2[%mul3A_7] : memref<19922944xi32, #tpu.memory_space<hbm>> -> memref<16384xi32, #tpu.memory_space<hbm>>
    tpu.enqueue_dma source(%dma_start3A_8 : memref<16384xi32, #tpu.memory_space<hbm>>) target(%arg5 : memref<16384xi32, #tpu.memory_space<vmem>>) target_semaphore(%arg7 : memref<!tpu.dma_semaphore, #tpu.memory_space<semaphore_mem>>)
    %add3A_9 = arith.constant 0 : i32
    %add3A_10 = arith.addi %add3A, %add3A_9 : i32
    %lt3A = arith.constant 152 : i32
    %lt3A_11 = arith.cmpi slt, %add3A_10, %lt3A : i32
    %convert_element_type3A = arith.extui %lt3A_11 : i1 to i32
    %cond3A = arith.constant 0 : i32
    %cond3A_12 = arith.cmpi ne, %convert_element_type3A, %cond3A : i32
    scf.if %cond3A_12 {
      %mul3A_41 = arith.constant 131072 : i32
      %mul3A_42 = arith.muli %add3A_10, %mul3A_41 : i32
      %scan3A = arith.constant 0 : i32
      %scan3A_43 = arith.constant 4 : i32
      %scan3A_44 = arith.addi %scan3A, %scan3A_43 : i32
      %scan3A_45 = arith.constant 1 : i32
      scf.for %scan3A_50 = %scan3A to %scan3A_44 step %scan3A_45  : i32 {
        %mul3A_51 = arith.constant 32768 : i32
        %mul3A_52 = arith.muli %scan3A_50, %mul3A_51 : i32
        %add3A_53 = arith.addi %mul3A_42, %mul3A_52 : i32
        %add3A_54 = arith.constant 16384 : i32
        %add3A_55 = arith.addi %add3A_53, %add3A_54 : i32
        %dma_start3A_56 = tpu.memref_slice %arg2[%add3A_55] : memref<19922944xi32, #tpu.memory_space<hbm>> -> memref<16384xi32, #tpu.memory_space<hbm>>
        %dma_start3A_57 = tpu.memref_slice %arg2[%add3A_55] : memref<19922944xi32, #tpu.memory_space<hbm>> -> memref<16384xi32, #tpu.memory_space<hbm>>
        tpu.enqueue_dma source(%dma_start3A_57 : memref<16384xi32, #tpu.memory_space<hbm>>) target(%arg6 : memref<16384xi32, #tpu.memory_space<vmem>>) target_semaphore(%arg8 : memref<!tpu.dma_semaphore, #tpu.memory_space<semaphore_mem>>)
        %dma_wait3A = arith.constant 0 : i32
        %dma_wait3A_58 = tpu.memref_slice %arg2[%dma_wait3A] : memref<19922944xi32, #tpu.memory_space<hbm>> -> memref<16384xi32, #tpu.memory_space<hbm>>
        %dma_wait3A_59 = arith.constant 0 : i32
        %dma_wait3A_60 = tpu.memref_slice %arg2[%dma_wait3A_59] : memref<19922944xi32, #tpu.memory_space<hbm>> -> memref<16384xi32, #tpu.memory_space<hbm>>
        tpu.wait_dma2 semaphore(%arg7 : memref<!tpu.dma_semaphore, #tpu.memory_space<semaphore_mem>>) src(%dma_wait3A_60 : memref<16384xi32, #tpu.memory_space<hbm>>) dst(%arg5 : memref<16384xi32, #tpu.memory_space<vmem>>)
        %parallel_loop3A_61 = arith.constant 0 : i32
        %parallel_loop3A_62 = arith.constant 1024 : i32
        %parallel_loop3A_63 = arith.constant 1 : i32
        scf.for %parallel_loop3A_84 = %parallel_loop3A_61 to %parallel_loop3A_62 step %parallel_loop3A_63  : i32 {
          %parallel_loop3A_85 = arith.constant 16 : i32
          %parallel_loop3A_86 = arith.muli %parallel_loop3A_84, %parallel_loop3A_85 : i32
          %parallel_loop3A_87 = arith.index_cast %parallel_loop3A_86 : i32 to index
          %parallel_loop3A_88 = tpu.vector_load %arg5[%parallel_loop3A_87] {strides = array<i32>} : memref<16384xi32, #tpu.memory_space<vmem>>, vector<16xi32>,
          tpu.vector_store_idx %arg4[%parallel_loop3A_88], %broadcast_in_dim3A_1 {add = true} : memref<67600xi32, #tpu.memory_space<vmem>>[vector<16xi32>], vector<16xi32>,
        } {sc.loop_unroll_factor = 16 : i64, sc.parallel_access}
        %lt3A_64 = arith.constant 3 : i32
        %lt3A_65 = arith.cmpi slt, %scan3A_50, %lt3A_64 : i32
        %convert_element_type3A_66 = arith.extui %lt3A_65 : i1 to i32
        %cond3A_67 = arith.constant 0 : i32
        %cond3A_68 = arith.cmpi ne, %convert_element_type3A_66, %cond3A_67 : i32
        scf.if %cond3A_68 {
          %add3A_84 = arith.constant 32768 : i32
          %add3A_85 = arith.addi %add3A_53, %add3A_84 : i32
          %dma_start3A_86 = tpu.memref_slice %arg2[%add3A_85] : memref<19922944xi32, #tpu.memory_space<hbm>> -> memref<16384xi32, #tpu.memory_space<hbm>>
          %dma_start3A_87 = tpu.memref_slice %arg2[%add3A_85] : memref<19922944xi32, #tpu.memory_space<hbm>> -> memref<16384xi32, #tpu.memory_space<hbm>>
          tpu.enqueue_dma source(%dma_start3A_87 : memref<16384xi32, #tpu.memory_space<hbm>>) target(%arg5 : memref<16384xi32, #tpu.memory_space<vmem>>) target_semaphore(%arg7 : memref<!tpu.dma_semaphore, #tpu.memory_space<semaphore_mem>>)
        } else {
        }
        %eq3A = arith.constant 3 : i32
        %eq3A_69 = arith.cmpi eq, %scan3A_50, %eq3A : i32
        %add3A_70 = arith.constant 32 : i32
        %add3A_71 = arith.addi %add3A_10, %add3A_70 : i32
        %lt3A_72 = arith.constant 152 : i32
        %lt3A_73 = arith.cmpi slt, %add3A_71, %lt3A_72 : i32
        %and3A = arith.andi %eq3A_69, %lt3A_73 : i1
        %convert_element_type3A_74 = arith.extui %and3A : i1 to i32
        %cond3A_75 = arith.constant 0 : i32
        %cond3A_76 = arith.cmpi ne, %convert_element_type3A_74, %cond3A_75 : i32
        scf.if %cond3A_76 {
          %add3A_84 = arith.constant 32 : i32
          %add3A_85 = arith.addi %add3A_10, %add3A_84 : i32
          %mul3A_86 = arith.constant 131072 : i32
          %mul3A_87 = arith.muli %add3A_85, %mul3A_86 : i32
          %dma_start3A_88 = tpu.memref_slice %arg2[%mul3A_87] : memref<19922944xi32, #tpu.memory_space<hbm>> -> memref<16384xi32, #tpu.memory_space<hbm>>
          %dma_start3A_89 = tpu.memref_slice %arg2[%mul3A_87] : memref<19922944xi32, #tpu.memory_space<hbm>> -> memref<16384xi32, #tpu.memory_space<hbm>>
          tpu.enqueue_dma source(%dma_start3A_89 : memref<16384xi32, #tpu.memory_space<hbm>>) target(%arg5 : memref<16384xi32, #tpu.memory_space<vmem>>) target_semaphore(%arg7 : memref<!tpu.dma_semaphore, #tpu.memory_space<semaphore_mem>>)
        } else {
        }
        %dma_wait3A_77 = arith.constant 0 : i32
        %dma_wait3A_78 = tpu.memref_slice %arg2[%dma_wait3A_77] : memref<19922944xi32, #tpu.memory_space<hbm>> -> memref<16384xi32, #tpu.memory_space<hbm>>
        %dma_wait3A_79 = arith.constant 0 : i32
        %dma_wait3A_80 = tpu.memref_slice %arg2[%dma_wait3A_79] : memref<19922944xi32, #tpu.memory_space<hbm>> -> memref<16384xi32, #tpu.memory_space<hbm>>
        tpu.wait_dma2 semaphore(%arg8 : memref<!tpu.dma_semaphore, #tpu.memory_space<semaphore_mem>>) src(%dma_wait3A_80 : memref<16384xi32, #tpu.memory_space<hbm>>) dst(%arg6 : memref<16384xi32, #tpu.memory_space<vmem>>)
        %parallel_loop3A_81 = arith.constant 0 : i32
        %parallel_loop3A_82 = arith.constant 1024 : i32
        %parallel_loop3A_83 = arith.constant 1 : i32
        scf.for %parallel_loop3A_84 = %parallel_loop3A_81 to %parallel_loop3A_82 step %parallel_loop3A_83  : i32 {
          %parallel_loop3A_85 = arith.constant 16 : i32
          %parallel_loop3A_86 = arith.muli %parallel_loop3A_84, %parallel_loop3A_85 : i32
          %parallel_loop3A_87 = arith.index_cast %parallel_loop3A_86 : i32 to index
          %parallel_loop3A_88 = tpu.vector_load %arg6[%parallel_loop3A_87] {strides = array<i32>} : memref<16384xi32, #tpu.memory_space<vmem>>, vector<16xi32>,
          tpu.vector_store_idx %arg4[%parallel_loop3A_88], %broadcast_in_dim3A_1 {add = true} : memref<67600xi32, #tpu.memory_space<vmem>>[vector<16xi32>], vector<16xi32>,
        } {sc.loop_unroll_factor = 16 : i64, sc.parallel_access}
      }
      %scan3A_46 = arith.constant 4 : i32
      "tpu.region"() ({
        %run_scoped3A = tpu.sem_alloc : memref<!tpu.dma_semaphore, #tpu.memory_space<semaphore_mem>>
        %dma_start3A_50 = arith.constant 0 : i32
        %dma_start3A_51 = tpu.memref_slice %arg3[%add3A_10, %dma_start3A_50] : memref<152x67600xi32, #tpu.memory_space<hbm>> -> memref<1x67600xi32, #tpu.memory_space<hbm>>
        %dma_start3A_52 = tpu.memref_squeeze %dma_start3A_51 : memref<1x67600xi32, #tpu.memory_space<hbm>> -> memref<67600xi32, #tpu.memory_space<hbm>>
        %dma_start3A_53 = arith.constant 0 : i32
        %dma_start3A_54 = tpu.memref_slice %arg3[%add3A_10, %dma_start3A_53] : memref<152x67600xi32, #tpu.memory_space<hbm>> -> memref<1x67600xi32, #tpu.memory_space<hbm>>
        %dma_start3A_55 = tpu.memref_squeeze %dma_start3A_54 : memref<1x67600xi32, #tpu.memory_space<hbm>> -> memref<67600xi32, #tpu.memory_space<hbm>>
        tpu.enqueue_dma source(%arg4 : memref<67600xi32, #tpu.memory_space<vmem>>) target(%dma_start3A_55 : memref<67600xi32, #tpu.memory_space<hbm>>) target_semaphore(%run_scoped3A : memref<!tpu.dma_semaphore, #tpu.memory_space<semaphore_mem>>)
        %dma_wait3A = arith.constant 0 : i32
        %dma_wait3A_56 = tpu.memref_slice %arg3[%add3A_10, %dma_wait3A] : memref<152x67600xi32, #tpu.memory_space<hbm>> -> memref<1x67600xi32, #tpu.memory_space<hbm>>
        %dma_wait3A_57 = tpu.memref_squeeze %dma_wait3A_56 : memref<1x67600xi32, #tpu.memory_space<hbm>> -> memref<67600xi32, #tpu.memory_space<hbm>>
        %dma_wait3A_58 = arith.constant 0 : i32
        %dma_wait3A_59 = tpu.memref_slice %arg3[%add3A_10, %dma_wait3A_58] : memref<152x67600xi32, #tpu.memory_space<hbm>> -> memref<1x67600xi32, #tpu.memory_space<hbm>>
        %dma_wait3A_60 = tpu.memref_squeeze %dma_wait3A_59 : memref<1x67600xi32, #tpu.memory_space<hbm>> -> memref<67600xi32, #tpu.memory_space<hbm>>
        tpu.wait_dma2 semaphore(%run_scoped3A : memref<!tpu.dma_semaphore, #tpu.memory_space<semaphore_mem>>) src(%arg4 : memref<67600xi32, #tpu.memory_space<vmem>>) dst(%dma_wait3A_60 : memref<67600xi32, #tpu.memory_space<hbm>>)
        tpu.yield
      }) : () -> ()
      %parallel_loop3A_47 = arith.constant 0 : i32
      %parallel_loop3A_48 = arith.constant 4225 : i32
      %parallel_loop3A_49 = arith.constant 1 : i32
      scf.for %parallel_loop3A_50 = %parallel_loop3A_47 to %parallel_loop3A_48 step %parallel_loop3A_49  : i32 {
        %parallel_loop3A_51 = arith.constant 16 : i32
        %parallel_loop3A_52 = arith.muli %parallel_loop3A_50, %parallel_loop3A_51 : i32
        %parallel_loop3A_53 = arith.index_cast %parallel_loop3A_52 : i32 to index
        %parallel_loop3A_54 = tpu.vector_load %arg4[%parallel_loop3A_53] {strides = array<i32>} : memref<67600xi32, #tpu.memory_space<vmem>>, vector<16xi32>,
        tpu.vector_store %arg4[%parallel_loop3A_53], %broadcast_in_dim3A_3 {strides = array<i32>} : memref<67600xi32, #tpu.memory_space<vmem>>, vector<16xi32>,
      } {sc.loop_unroll_factor = 8 : i64, sc.parallel_access}
    } else {
    }
    %add3A_13 = arith.constant 32 : i32
    %add3A_14 = arith.addi %add3A, %add3A_13 : i32
    %lt3A_15 = arith.constant 152 : i32
    %lt3A_16 = arith.cmpi slt, %add3A_14, %lt3A_15 : i32
    %convert_element_type3A_17 = arith.extui %lt3A_16 : i1 to i32
    %cond3A_18 = arith.constant 0 : i32
    %cond3A_19 = arith.cmpi ne, %convert_element_type3A_17, %cond3A_18 : i32
    scf.if %cond3A_19 {
      %mul3A_41 = arith.constant 131072 : i32
      %mul3A_42 = arith.muli %add3A_14, %mul3A_41 : i32
      %scan3A = arith.constant 0 : i32
      %scan3A_43 = arith.constant 4 : i32
      %scan3A_44 = arith.addi %scan3A, %scan3A_43 : i32
      %scan3A_45 = arith.constant 1 : i32
      scf.for %scan3A_50 = %scan3A to %scan3A_44 step %scan3A_45  : i32 {
        %mul3A_51 = arith.constant 32768 : i32
        %mul3A_52 = arith.muli %scan3A_50, %mul3A_51 : i32
        %add3A_53 = arith.addi %mul3A_42, %mul3A_52 : i32
        %add3A_54 = arith.constant 16384 : i32
        %add3A_55 = arith.addi %add3A_53, %add3A_54 : i32
        %dma_start3A_56 = tpu.memref_slice %arg2[%add3A_55] : memref<19922944xi32, #tpu.memory_space<hbm>> -> memref<16384xi32, #tpu.memory_space<hbm>>
        %dma_start3A_57 = tpu.memref_slice %arg2[%add3A_55] : memref<19922944xi32, #tpu.memory_space<hbm>> -> memref<16384xi32, #tpu.memory_space<hbm>>
        tpu.enqueue_dma source(%dma_start3A_57 : memref<16384xi32, #tpu.memory_space<hbm>>) target(%arg6 : memref<16384xi32, #tpu.memory_space<vmem>>) target_semaphore(%arg8 : memref<!tpu.dma_semaphore, #tpu.memory_space<semaphore_mem>>)
        %dma_wait3A = arith.constant 0 : i32
        %dma_wait3A_58 = tpu.memref_slice %arg2[%dma_wait3A] : memref<19922944xi32, #tpu.memory_space<hbm>> -> memref<16384xi32, #tpu.memory_space<hbm>>
        %dma_wait3A_59 = arith.constant 0 : i32
        %dma_wait3A_60 = tpu.memref_slice %arg2[%dma_wait3A_59] : memref<19922944xi32, #tpu.memory_space<hbm>> -> memref<16384xi32, #tpu.memory_space<hbm>>
        tpu.wait_dma2 semaphore(%arg7 : memref<!tpu.dma_semaphore, #tpu.memory_space<semaphore_mem>>) src(%dma_wait3A_60 : memref<16384xi32, #tpu.memory_space<hbm>>) dst(%arg5 : memref<16384xi32, #tpu.memory_space<vmem>>)
        %parallel_loop3A_61 = arith.constant 0 : i32
        %parallel_loop3A_62 = arith.constant 1024 : i32
        %parallel_loop3A_63 = arith.constant 1 : i32
        scf.for %parallel_loop3A_84 = %parallel_loop3A_61 to %parallel_loop3A_62 step %parallel_loop3A_63  : i32 {
          %parallel_loop3A_85 = arith.constant 16 : i32
          %parallel_loop3A_86 = arith.muli %parallel_loop3A_84, %parallel_loop3A_85 : i32
          %parallel_loop3A_87 = arith.index_cast %parallel_loop3A_86 : i32 to index
          %parallel_loop3A_88 = tpu.vector_load %arg5[%parallel_loop3A_87] {strides = array<i32>} : memref<16384xi32, #tpu.memory_space<vmem>>, vector<16xi32>,
          tpu.vector_store_idx %arg4[%parallel_loop3A_88], %broadcast_in_dim3A_1 {add = true} : memref<67600xi32, #tpu.memory_space<vmem>>[vector<16xi32>], vector<16xi32>,
        } {sc.loop_unroll_factor = 16 : i64, sc.parallel_access}
        %lt3A_64 = arith.constant 3 : i32
        %lt3A_65 = arith.cmpi slt, %scan3A_50, %lt3A_64 : i32
        %convert_element_type3A_66 = arith.extui %lt3A_65 : i1 to i32
        %cond3A_67 = arith.constant 0 : i32
        %cond3A_68 = arith.cmpi ne, %convert_element_type3A_66, %cond3A_67 : i32
        scf.if %cond3A_68 {
          %add3A_84 = arith.constant 32768 : i32
          %add3A_85 = arith.addi %add3A_53, %add3A_84 : i32
          %dma_start3A_86 = tpu.memref_slice %arg2[%add3A_85] : memref<19922944xi32, #tpu.memory_space<hbm>> -> memref<16384xi32, #tpu.memory_space<hbm>>
          %dma_start3A_87 = tpu.memref_slice %arg2[%add3A_85] : memref<19922944xi32, #tpu.memory_space<hbm>> -> memref<16384xi32, #tpu.memory_space<hbm>>
          tpu.enqueue_dma source(%dma_start3A_87 : memref<16384xi32, #tpu.memory_space<hbm>>) target(%arg5 : memref<16384xi32, #tpu.memory_space<vmem>>) target_semaphore(%arg7 : memref<!tpu.dma_semaphore, #tpu.memory_space<semaphore_mem>>)
        } else {
        }
        %eq3A = arith.constant 3 : i32
        %eq3A_69 = arith.cmpi eq, %scan3A_50, %eq3A : i32
        %add3A_70 = arith.constant 32 : i32
        %add3A_71 = arith.addi %add3A_14, %add3A_70 : i32
        %lt3A_72 = arith.constant 152 : i32
        %lt3A_73 = arith.cmpi slt, %add3A_71, %lt3A_72 : i32
        %and3A = arith.andi %eq3A_69, %lt3A_73 : i1
        %convert_element_type3A_74 = arith.extui %and3A : i1 to i32
        %cond3A_75 = arith.constant 0 : i32
        %cond3A_76 = arith.cmpi ne, %convert_element_type3A_74, %cond3A_75 : i32
        scf.if %cond3A_76 {
          %add3A_84 = arith.constant 32 : i32
          %add3A_85 = arith.addi %add3A_14, %add3A_84 : i32
          %mul3A_86 = arith.constant 131072 : i32
          %mul3A_87 = arith.muli %add3A_85, %mul3A_86 : i32
          %dma_start3A_88 = tpu.memref_slice %arg2[%mul3A_87] : memref<19922944xi32, #tpu.memory_space<hbm>> -> memref<16384xi32, #tpu.memory_space<hbm>>
          %dma_start3A_89 = tpu.memref_slice %arg2[%mul3A_87] : memref<19922944xi32, #tpu.memory_space<hbm>> -> memref<16384xi32, #tpu.memory_space<hbm>>
          tpu.enqueue_dma source(%dma_start3A_89 : memref<16384xi32, #tpu.memory_space<hbm>>) target(%arg5 : memref<16384xi32, #tpu.memory_space<vmem>>) target_semaphore(%arg7 : memref<!tpu.dma_semaphore, #tpu.memory_space<semaphore_mem>>)
        } else {
        }
        %dma_wait3A_77 = arith.constant 0 : i32
        %dma_wait3A_78 = tpu.memref_slice %arg2[%dma_wait3A_77] : memref<19922944xi32, #tpu.memory_space<hbm>> -> memref<16384xi32, #tpu.memory_space<hbm>>
        %dma_wait3A_79 = arith.constant 0 : i32
        %dma_wait3A_80 = tpu.memref_slice %arg2[%dma_wait3A_79] : memref<19922944xi32, #tpu.memory_space<hbm>> -> memref<16384xi32, #tpu.memory_space<hbm>>
        tpu.wait_dma2 semaphore(%arg8 : memref<!tpu.dma_semaphore, #tpu.memory_space<semaphore_mem>>) src(%dma_wait3A_80 : memref<16384xi32, #tpu.memory_space<hbm>>) dst(%arg6 : memref<16384xi32, #tpu.memory_space<vmem>>)
        %parallel_loop3A_81 = arith.constant 0 : i32
        %parallel_loop3A_82 = arith.constant 1024 : i32
        %parallel_loop3A_83 = arith.constant 1 : i32
        scf.for %parallel_loop3A_84 = %parallel_loop3A_81 to %parallel_loop3A_82 step %parallel_loop3A_83  : i32 {
          %parallel_loop3A_85 = arith.constant 16 : i32
          %parallel_loop3A_86 = arith.muli %parallel_loop3A_84, %parallel_loop3A_85 : i32
          %parallel_loop3A_87 = arith.index_cast %parallel_loop3A_86 : i32 to index
          %parallel_loop3A_88 = tpu.vector_load %arg6[%parallel_loop3A_87] {strides = array<i32>} : memref<16384xi32, #tpu.memory_space<vmem>>, vector<16xi32>,
          tpu.vector_store_idx %arg4[%parallel_loop3A_88], %broadcast_in_dim3A_1 {add = true} : memref<67600xi32, #tpu.memory_space<vmem>>[vector<16xi32>], vector<16xi32>,
        } {sc.loop_unroll_factor = 16 : i64, sc.parallel_access}
      }
      %scan3A_46 = arith.constant 4 : i32
      "tpu.region"() ({
        %run_scoped3A = tpu.sem_alloc : memref<!tpu.dma_semaphore, #tpu.memory_space<semaphore_mem>>
        %dma_start3A_50 = arith.constant 0 : i32
        %dma_start3A_51 = tpu.memref_slice %arg3[%add3A_14, %dma_start3A_50] : memref<152x67600xi32, #tpu.memory_space<hbm>> -> memref<1x67600xi32, #tpu.memory_space<hbm>>
        %dma_start3A_52 = tpu.memref_squeeze %dma_start3A_51 : memref<1x67600xi32, #tpu.memory_space<hbm>> -> memref<67600xi32, #tpu.memory_space<hbm>>
        %dma_start3A_53 = arith.constant 0 : i32
        %dma_start3A_54 = tpu.memref_slice %arg3[%add3A_14, %dma_start3A_53] : memref<152x67600xi32, #tpu.memory_space<hbm>> -> memref<1x67600xi32, #tpu.memory_space<hbm>>
        %dma_start3A_55 = tpu.memref_squeeze %dma_start3A_54 : memref<1x67600xi32, #tpu.memory_space<hbm>> -> memref<67600xi32, #tpu.memory_space<hbm>>
        tpu.enqueue_dma source(%arg4 : memref<67600xi32, #tpu.memory_space<vmem>>) target(%dma_start3A_55 : memref<67600xi32, #tpu.memory_space<hbm>>) target_semaphore(%run_scoped3A : memref<!tpu.dma_semaphore, #tpu.memory_space<semaphore_mem>>)
        %dma_wait3A = arith.constant 0 : i32
        %dma_wait3A_56 = tpu.memref_slice %arg3[%add3A_14, %dma_wait3A] : memref<152x67600xi32, #tpu.memory_space<hbm>> -> memref<1x67600xi32, #tpu.memory_space<hbm>>
        %dma_wait3A_57 = tpu.memref_squeeze %dma_wait3A_56 : memref<1x67600xi32, #tpu.memory_space<hbm>> -> memref<67600xi32, #tpu.memory_space<hbm>>
        %dma_wait3A_58 = arith.constant 0 : i32
        %dma_wait3A_59 = tpu.memref_slice %arg3[%add3A_14, %dma_wait3A_58] : memref<152x67600xi32, #tpu.memory_space<hbm>> -> memref<1x67600xi32, #tpu.memory_space<hbm>>
        %dma_wait3A_60 = tpu.memref_squeeze %dma_wait3A_59 : memref<1x67600xi32, #tpu.memory_space<hbm>> -> memref<67600xi32, #tpu.memory_space<hbm>>
        tpu.wait_dma2 semaphore(%run_scoped3A : memref<!tpu.dma_semaphore, #tpu.memory_space<semaphore_mem>>) src(%arg4 : memref<67600xi32, #tpu.memory_space<vmem>>) dst(%dma_wait3A_60 : memref<67600xi32, #tpu.memory_space<hbm>>)
        tpu.yield
      }) : () -> ()
      %parallel_loop3A_47 = arith.constant 0 : i32
      %parallel_loop3A_48 = arith.constant 4225 : i32
      %parallel_loop3A_49 = arith.constant 1 : i32
      scf.for %parallel_loop3A_50 = %parallel_loop3A_47 to %parallel_loop3A_48 step %parallel_loop3A_49  : i32 {
        %parallel_loop3A_51 = arith.constant 16 : i32
        %parallel_loop3A_52 = arith.muli %parallel_loop3A_50, %parallel_loop3A_51 : i32
        %parallel_loop3A_53 = arith.index_cast %parallel_loop3A_52 : i32 to index
        %parallel_loop3A_54 = tpu.vector_load %arg4[%parallel_loop3A_53] {strides = array<i32>} : memref<67600xi32, #tpu.memory_space<vmem>>, vector<16xi32>,
        tpu.vector_store %arg4[%parallel_loop3A_53], %broadcast_in_dim3A_3 {strides = array<i32>} : memref<67600xi32, #tpu.memory_space<vmem>>, vector<16xi32>,
      } {sc.loop_unroll_factor = 8 : i64, sc.parallel_access}
    } else {
    }
    %add3A_20 = arith.constant 64 : i32
    %add3A_21 = arith.addi %add3A, %add3A_20 : i32
    %lt3A_22 = arith.constant 152 : i32
    %lt3A_23 = arith.cmpi slt, %add3A_21, %lt3A_22 : i32
    %convert_element_type3A_24 = arith.extui %lt3A_23 : i1 to i32
    %cond3A_25 = arith.constant 0 : i32
    %cond3A_26 = arith.cmpi ne, %convert_element_type3A_24, %cond3A_25 : i32
    scf.if %cond3A_26 {
      %mul3A_41 = arith.constant 131072 : i32
      %mul3A_42 = arith.muli %add3A_21, %mul3A_41 : i32
      %scan3A = arith.constant 0 : i32
      %scan3A_43 = arith.constant 4 : i32
      %scan3A_44 = arith.addi %scan3A, %scan3A_43 : i32
      %scan3A_45 = arith.constant 1 : i32
      scf.for %scan3A_50 = %scan3A to %scan3A_44 step %scan3A_45  : i32 {
        %mul3A_51 = arith.constant 32768 : i32
        %mul3A_52 = arith.muli %scan3A_50, %mul3A_51 : i32
        %add3A_53 = arith.addi %mul3A_42, %mul3A_52 : i32
        %add3A_54 = arith.constant 16384 : i32
        %add3A_55 = arith.addi %add3A_53, %add3A_54 : i32
        %dma_start3A_56 = tpu.memref_slice %arg2[%add3A_55] : memref<19922944xi32, #tpu.memory_space<hbm>> -> memref<16384xi32, #tpu.memory_space<hbm>>
        %dma_start3A_57 = tpu.memref_slice %arg2[%add3A_55] : memref<19922944xi32, #tpu.memory_space<hbm>> -> memref<16384xi32, #tpu.memory_space<hbm>>
        tpu.enqueue_dma source(%dma_start3A_57 : memref<16384xi32, #tpu.memory_space<hbm>>) target(%arg6 : memref<16384xi32, #tpu.memory_space<vmem>>) target_semaphore(%arg8 : memref<!tpu.dma_semaphore, #tpu.memory_space<semaphore_mem>>)
        %dma_wait3A = arith.constant 0 : i32
        %dma_wait3A_58 = tpu.memref_slice %arg2[%dma_wait3A] : memref<19922944xi32, #tpu.memory_space<hbm>> -> memref<16384xi32, #tpu.memory_space<hbm>>
        %dma_wait3A_59 = arith.constant 0 : i32
        %dma_wait3A_60 = tpu.memref_slice %arg2[%dma_wait3A_59] : memref<19922944xi32, #tpu.memory_space<hbm>> -> memref<16384xi32, #tpu.memory_space<hbm>>
        tpu.wait_dma2 semaphore(%arg7 : memref<!tpu.dma_semaphore, #tpu.memory_space<semaphore_mem>>) src(%dma_wait3A_60 : memref<16384xi32, #tpu.memory_space<hbm>>) dst(%arg5 : memref<16384xi32, #tpu.memory_space<vmem>>)
        %parallel_loop3A_61 = arith.constant 0 : i32
        %parallel_loop3A_62 = arith.constant 1024 : i32
        %parallel_loop3A_63 = arith.constant 1 : i32
        scf.for %parallel_loop3A_84 = %parallel_loop3A_61 to %parallel_loop3A_62 step %parallel_loop3A_63  : i32 {
          %parallel_loop3A_85 = arith.constant 16 : i32
          %parallel_loop3A_86 = arith.muli %parallel_loop3A_84, %parallel_loop3A_85 : i32
          %parallel_loop3A_87 = arith.index_cast %parallel_loop3A_86 : i32 to index
          %parallel_loop3A_88 = tpu.vector_load %arg5[%parallel_loop3A_87] {strides = array<i32>} : memref<16384xi32, #tpu.memory_space<vmem>>, vector<16xi32>,
          tpu.vector_store_idx %arg4[%parallel_loop3A_88], %broadcast_in_dim3A_1 {add = true} : memref<67600xi32, #tpu.memory_space<vmem>>[vector<16xi32>], vector<16xi32>,
        } {sc.loop_unroll_factor = 16 : i64, sc.parallel_access}
        %lt3A_64 = arith.constant 3 : i32
        %lt3A_65 = arith.cmpi slt, %scan3A_50, %lt3A_64 : i32
        %convert_element_type3A_66 = arith.extui %lt3A_65 : i1 to i32
        %cond3A_67 = arith.constant 0 : i32
        %cond3A_68 = arith.cmpi ne, %convert_element_type3A_66, %cond3A_67 : i32
        scf.if %cond3A_68 {
          %add3A_84 = arith.constant 32768 : i32
          %add3A_85 = arith.addi %add3A_53, %add3A_84 : i32
          %dma_start3A_86 = tpu.memref_slice %arg2[%add3A_85] : memref<19922944xi32, #tpu.memory_space<hbm>> -> memref<16384xi32, #tpu.memory_space<hbm>>
          %dma_start3A_87 = tpu.memref_slice %arg2[%add3A_85] : memref<19922944xi32, #tpu.memory_space<hbm>> -> memref<16384xi32, #tpu.memory_space<hbm>>
          tpu.enqueue_dma source(%dma_start3A_87 : memref<16384xi32, #tpu.memory_space<hbm>>) target(%arg5 : memref<16384xi32, #tpu.memory_space<vmem>>) target_semaphore(%arg7 : memref<!tpu.dma_semaphore, #tpu.memory_space<semaphore_mem>>)
        } else {
        }
        %eq3A = arith.constant 3 : i32
        %eq3A_69 = arith.cmpi eq, %scan3A_50, %eq3A : i32
        %add3A_70 = arith.constant 32 : i32
        %add3A_71 = arith.addi %add3A_21, %add3A_70 : i32
        %lt3A_72 = arith.constant 152 : i32
        %lt3A_73 = arith.cmpi slt, %add3A_71, %lt3A_72 : i32
        %and3A = arith.andi %eq3A_69, %lt3A_73 : i1
        %convert_element_type3A_74 = arith.extui %and3A : i1 to i32
        %cond3A_75 = arith.constant 0 : i32
        %cond3A_76 = arith.cmpi ne, %convert_element_type3A_74, %cond3A_75 : i32
        scf.if %cond3A_76 {
          %add3A_84 = arith.constant 32 : i32
          %add3A_85 = arith.addi %add3A_21, %add3A_84 : i32
          %mul3A_86 = arith.constant 131072 : i32
          %mul3A_87 = arith.muli %add3A_85, %mul3A_86 : i32
          %dma_start3A_88 = tpu.memref_slice %arg2[%mul3A_87] : memref<19922944xi32, #tpu.memory_space<hbm>> -> memref<16384xi32, #tpu.memory_space<hbm>>
          %dma_start3A_89 = tpu.memref_slice %arg2[%mul3A_87] : memref<19922944xi32, #tpu.memory_space<hbm>> -> memref<16384xi32, #tpu.memory_space<hbm>>
          tpu.enqueue_dma source(%dma_start3A_89 : memref<16384xi32, #tpu.memory_space<hbm>>) target(%arg5 : memref<16384xi32, #tpu.memory_space<vmem>>) target_semaphore(%arg7 : memref<!tpu.dma_semaphore, #tpu.memory_space<semaphore_mem>>)
        } else {
        }
        %dma_wait3A_77 = arith.constant 0 : i32
        %dma_wait3A_78 = tpu.memref_slice %arg2[%dma_wait3A_77] : memref<19922944xi32, #tpu.memory_space<hbm>> -> memref<16384xi32, #tpu.memory_space<hbm>>
        %dma_wait3A_79 = arith.constant 0 : i32
        %dma_wait3A_80 = tpu.memref_slice %arg2[%dma_wait3A_79] : memref<19922944xi32, #tpu.memory_space<hbm>> -> memref<16384xi32, #tpu.memory_space<hbm>>
        tpu.wait_dma2 semaphore(%arg8 : memref<!tpu.dma_semaphore, #tpu.memory_space<semaphore_mem>>) src(%dma_wait3A_80 : memref<16384xi32, #tpu.memory_space<hbm>>) dst(%arg6 : memref<16384xi32, #tpu.memory_space<vmem>>)
        %parallel_loop3A_81 = arith.constant 0 : i32
        %parallel_loop3A_82 = arith.constant 1024 : i32
        %parallel_loop3A_83 = arith.constant 1 : i32
        scf.for %parallel_loop3A_84 = %parallel_loop3A_81 to %parallel_loop3A_82 step %parallel_loop3A_83  : i32 {
          %parallel_loop3A_85 = arith.constant 16 : i32
          %parallel_loop3A_86 = arith.muli %parallel_loop3A_84, %parallel_loop3A_85 : i32
          %parallel_loop3A_87 = arith.index_cast %parallel_loop3A_86 : i32 to index
          %parallel_loop3A_88 = tpu.vector_load %arg6[%parallel_loop3A_87] {strides = array<i32>} : memref<16384xi32, #tpu.memory_space<vmem>>, vector<16xi32>,
          tpu.vector_store_idx %arg4[%parallel_loop3A_88], %broadcast_in_dim3A_1 {add = true} : memref<67600xi32, #tpu.memory_space<vmem>>[vector<16xi32>], vector<16xi32>,
        } {sc.loop_unroll_factor = 16 : i64, sc.parallel_access}
      }
      %scan3A_46 = arith.constant 4 : i32
      "tpu.region"() ({
        %run_scoped3A = tpu.sem_alloc : memref<!tpu.dma_semaphore, #tpu.memory_space<semaphore_mem>>
        %dma_start3A_50 = arith.constant 0 : i32
        %dma_start3A_51 = tpu.memref_slice %arg3[%add3A_21, %dma_start3A_50] : memref<152x67600xi32, #tpu.memory_space<hbm>> -> memref<1x67600xi32, #tpu.memory_space<hbm>>
        %dma_start3A_52 = tpu.memref_squeeze %dma_start3A_51 : memref<1x67600xi32, #tpu.memory_space<hbm>> -> memref<67600xi32, #tpu.memory_space<hbm>>
        %dma_start3A_53 = arith.constant 0 : i32
        %dma_start3A_54 = tpu.memref_slice %arg3[%add3A_21, %dma_start3A_53] : memref<152x67600xi32, #tpu.memory_space<hbm>> -> memref<1x67600xi32, #tpu.memory_space<hbm>>
        %dma_start3A_55 = tpu.memref_squeeze %dma_start3A_54 : memref<1x67600xi32, #tpu.memory_space<hbm>> -> memref<67600xi32, #tpu.memory_space<hbm>>
        tpu.enqueue_dma source(%arg4 : memref<67600xi32, #tpu.memory_space<vmem>>) target(%dma_start3A_55 : memref<67600xi32, #tpu.memory_space<hbm>>) target_semaphore(%run_scoped3A : memref<!tpu.dma_semaphore, #tpu.memory_space<semaphore_mem>>)
        %dma_wait3A = arith.constant 0 : i32
        %dma_wait3A_56 = tpu.memref_slice %arg3[%add3A_21, %dma_wait3A] : memref<152x67600xi32, #tpu.memory_space<hbm>> -> memref<1x67600xi32, #tpu.memory_space<hbm>>
        %dma_wait3A_57 = tpu.memref_squeeze %dma_wait3A_56 : memref<1x67600xi32, #tpu.memory_space<hbm>> -> memref<67600xi32, #tpu.memory_space<hbm>>
        %dma_wait3A_58 = arith.constant 0 : i32
        %dma_wait3A_59 = tpu.memref_slice %arg3[%add3A_21, %dma_wait3A_58] : memref<152x67600xi32, #tpu.memory_space<hbm>> -> memref<1x67600xi32, #tpu.memory_space<hbm>>
        %dma_wait3A_60 = tpu.memref_squeeze %dma_wait3A_59 : memref<1x67600xi32, #tpu.memory_space<hbm>> -> memref<67600xi32, #tpu.memory_space<hbm>>
        tpu.wait_dma2 semaphore(%run_scoped3A : memref<!tpu.dma_semaphore, #tpu.memory_space<semaphore_mem>>) src(%arg4 : memref<67600xi32, #tpu.memory_space<vmem>>) dst(%dma_wait3A_60 : memref<67600xi32, #tpu.memory_space<hbm>>)
        tpu.yield
      }) : () -> ()
      %parallel_loop3A_47 = arith.constant 0 : i32
      %parallel_loop3A_48 = arith.constant 4225 : i32
      %parallel_loop3A_49 = arith.constant 1 : i32
      scf.for %parallel_loop3A_50 = %parallel_loop3A_47 to %parallel_loop3A_48 step %parallel_loop3A_49  : i32 {
        %parallel_loop3A_51 = arith.constant 16 : i32
        %parallel_loop3A_52 = arith.muli %parallel_loop3A_50, %parallel_loop3A_51 : i32
        %parallel_loop3A_53 = arith.index_cast %parallel_loop3A_52 : i32 to index
        %parallel_loop3A_54 = tpu.vector_load %arg4[%parallel_loop3A_53] {strides = array<i32>} : memref<67600xi32, #tpu.memory_space<vmem>>, vector<16xi32>,
        tpu.vector_store %arg4[%parallel_loop3A_53], %broadcast_in_dim3A_3 {strides = array<i32>} : memref<67600xi32, #tpu.memory_space<vmem>>, vector<16xi32>,
      } {sc.loop_unroll_factor = 8 : i64, sc.parallel_access}
    } else {
    }
    %add3A_27 = arith.constant 96 : i32
    %add3A_28 = arith.addi %add3A, %add3A_27 : i32
    %lt3A_29 = arith.constant 152 : i32
    %lt3A_30 = arith.cmpi slt, %add3A_28, %lt3A_29 : i32
    %convert_element_type3A_31 = arith.extui %lt3A_30 : i1 to i32
    %cond3A_32 = arith.constant 0 : i32
    %cond3A_33 = arith.cmpi ne, %convert_element_type3A_31, %cond3A_32 : i32
    scf.if %cond3A_33 {
      %mul3A_41 = arith.constant 131072 : i32
      %mul3A_42 = arith.muli %add3A_28, %mul3A_41 : i32
      %scan3A = arith.constant 0 : i32
      %scan3A_43 = arith.constant 4 : i32
      %scan3A_44 = arith.addi %scan3A, %scan3A_43 : i32
      %scan3A_45 = arith.constant 1 : i32
      scf.for %scan3A_50 = %scan3A to %scan3A_44 step %scan3A_45  : i32 {
        %mul3A_51 = arith.constant 32768 : i32
        %mul3A_52 = arith.muli %scan3A_50, %mul3A_51 : i32
        %add3A_53 = arith.addi %mul3A_42, %mul3A_52 : i32
        %add3A_54 = arith.constant 16384 : i32
        %add3A_55 = arith.addi %add3A_53, %add3A_54 : i32
        %dma_start3A_56 = tpu.memref_slice %arg2[%add3A_55] : memref<19922944xi32, #tpu.memory_space<hbm>> -> memref<16384xi32, #tpu.memory_space<hbm>>
        %dma_start3A_57 = tpu.memref_slice %arg2[%add3A_55] : memref<19922944xi32, #tpu.memory_space<hbm>> -> memref<16384xi32, #tpu.memory_space<hbm>>
        tpu.enqueue_dma source(%dma_start3A_57 : memref<16384xi32, #tpu.memory_space<hbm>>) target(%arg6 : memref<16384xi32, #tpu.memory_space<vmem>>) target_semaphore(%arg8 : memref<!tpu.dma_semaphore, #tpu.memory_space<semaphore_mem>>)
        %dma_wait3A = arith.constant 0 : i32
        %dma_wait3A_58 = tpu.memref_slice %arg2[%dma_wait3A] : memref<19922944xi32, #tpu.memory_space<hbm>> -> memref<16384xi32, #tpu.memory_space<hbm>>
        %dma_wait3A_59 = arith.constant 0 : i32
        %dma_wait3A_60 = tpu.memref_slice %arg2[%dma_wait3A_59] : memref<19922944xi32, #tpu.memory_space<hbm>> -> memref<16384xi32, #tpu.memory_space<hbm>>
        tpu.wait_dma2 semaphore(%arg7 : memref<!tpu.dma_semaphore, #tpu.memory_space<semaphore_mem>>) src(%dma_wait3A_60 : memref<16384xi32, #tpu.memory_space<hbm>>) dst(%arg5 : memref<16384xi32, #tpu.memory_space<vmem>>)
        %parallel_loop3A_61 = arith.constant 0 : i32
        %parallel_loop3A_62 = arith.constant 1024 : i32
        %parallel_loop3A_63 = arith.constant 1 : i32
        scf.for %parallel_loop3A_84 = %parallel_loop3A_61 to %parallel_loop3A_62 step %parallel_loop3A_63  : i32 {
          %parallel_loop3A_85 = arith.constant 16 : i32
          %parallel_loop3A_86 = arith.muli %parallel_loop3A_84, %parallel_loop3A_85 : i32
          %parallel_loop3A_87 = arith.index_cast %parallel_loop3A_86 : i32 to index
          %parallel_loop3A_88 = tpu.vector_load %arg5[%parallel_loop3A_87] {strides = array<i32>} : memref<16384xi32, #tpu.memory_space<vmem>>, vector<16xi32>,
          tpu.vector_store_idx %arg4[%parallel_loop3A_88], %broadcast_in_dim3A_1 {add = true} : memref<67600xi32, #tpu.memory_space<vmem>>[vector<16xi32>], vector<16xi32>,
        } {sc.loop_unroll_factor = 16 : i64, sc.parallel_access}
        %lt3A_64 = arith.constant 3 : i32
        %lt3A_65 = arith.cmpi slt, %scan3A_50, %lt3A_64 : i32
        %convert_element_type3A_66 = arith.extui %lt3A_65 : i1 to i32
        %cond3A_67 = arith.constant 0 : i32
        %cond3A_68 = arith.cmpi ne, %convert_element_type3A_66, %cond3A_67 : i32
        scf.if %cond3A_68 {
          %add3A_84 = arith.constant 32768 : i32
          %add3A_85 = arith.addi %add3A_53, %add3A_84 : i32
          %dma_start3A_86 = tpu.memref_slice %arg2[%add3A_85] : memref<19922944xi32, #tpu.memory_space<hbm>> -> memref<16384xi32, #tpu.memory_space<hbm>>
          %dma_start3A_87 = tpu.memref_slice %arg2[%add3A_85] : memref<19922944xi32, #tpu.memory_space<hbm>> -> memref<16384xi32, #tpu.memory_space<hbm>>
          tpu.enqueue_dma source(%dma_start3A_87 : memref<16384xi32, #tpu.memory_space<hbm>>) target(%arg5 : memref<16384xi32, #tpu.memory_space<vmem>>) target_semaphore(%arg7 : memref<!tpu.dma_semaphore, #tpu.memory_space<semaphore_mem>>)
        } else {
        }
        %eq3A = arith.constant 3 : i32
        %eq3A_69 = arith.cmpi eq, %scan3A_50, %eq3A : i32
        %add3A_70 = arith.constant 32 : i32
        %add3A_71 = arith.addi %add3A_28, %add3A_70 : i32
        %lt3A_72 = arith.constant 152 : i32
        %lt3A_73 = arith.cmpi slt, %add3A_71, %lt3A_72 : i32
        %and3A = arith.andi %eq3A_69, %lt3A_73 : i1
        %convert_element_type3A_74 = arith.extui %and3A : i1 to i32
        %cond3A_75 = arith.constant 0 : i32
        %cond3A_76 = arith.cmpi ne, %convert_element_type3A_74, %cond3A_75 : i32
        scf.if %cond3A_76 {
          %add3A_84 = arith.constant 32 : i32
          %add3A_85 = arith.addi %add3A_28, %add3A_84 : i32
          %mul3A_86 = arith.constant 131072 : i32
          %mul3A_87 = arith.muli %add3A_85, %mul3A_86 : i32
          %dma_start3A_88 = tpu.memref_slice %arg2[%mul3A_87] : memref<19922944xi32, #tpu.memory_space<hbm>> -> memref<16384xi32, #tpu.memory_space<hbm>>
          %dma_start3A_89 = tpu.memref_slice %arg2[%mul3A_87] : memref<19922944xi32, #tpu.memory_space<hbm>> -> memref<16384xi32, #tpu.memory_space<hbm>>
          tpu.enqueue_dma source(%dma_start3A_89 : memref<16384xi32, #tpu.memory_space<hbm>>) target(%arg5 : memref<16384xi32, #tpu.memory_space<vmem>>) target_semaphore(%arg7 : memref<!tpu.dma_semaphore, #tpu.memory_space<semaphore_mem>>)
        } else {
        }
        %dma_wait3A_77 = arith.constant 0 : i32
        %dma_wait3A_78 = tpu.memref_slice %arg2[%dma_wait3A_77] : memref<19922944xi32, #tpu.memory_space<hbm>> -> memref<16384xi32, #tpu.memory_space<hbm>>
        %dma_wait3A_79 = arith.constant 0 : i32
        %dma_wait3A_80 = tpu.memref_slice %arg2[%dma_wait3A_79] : memref<19922944xi32, #tpu.memory_space<hbm>> -> memref<16384xi32, #tpu.memory_space<hbm>>
        tpu.wait_dma2 semaphore(%arg8 : memref<!tpu.dma_semaphore, #tpu.memory_space<semaphore_mem>>) src(%dma_wait3A_80 : memref<16384xi32, #tpu.memory_space<hbm>>) dst(%arg6 : memref<16384xi32, #tpu.memory_space<vmem>>)
        %parallel_loop3A_81 = arith.constant 0 : i32
        %parallel_loop3A_82 = arith.constant 1024 : i32
        %parallel_loop3A_83 = arith.constant 1 : i32
        scf.for %parallel_loop3A_84 = %parallel_loop3A_81 to %parallel_loop3A_82 step %parallel_loop3A_83  : i32 {
          %parallel_loop3A_85 = arith.constant 16 : i32
          %parallel_loop3A_86 = arith.muli %parallel_loop3A_84, %parallel_loop3A_85 : i32
          %parallel_loop3A_87 = arith.index_cast %parallel_loop3A_86 : i32 to index
          %parallel_loop3A_88 = tpu.vector_load %arg6[%parallel_loop3A_87] {strides = array<i32>} : memref<16384xi32, #tpu.memory_space<vmem>>, vector<16xi32>,
          tpu.vector_store_idx %arg4[%parallel_loop3A_88], %broadcast_in_dim3A_1 {add = true} : memref<67600xi32, #tpu.memory_space<vmem>>[vector<16xi32>], vector<16xi32>,
        } {sc.loop_unroll_factor = 16 : i64, sc.parallel_access}
      }
      %scan3A_46 = arith.constant 4 : i32
      "tpu.region"() ({
        %run_scoped3A = tpu.sem_alloc : memref<!tpu.dma_semaphore, #tpu.memory_space<semaphore_mem>>
        %dma_start3A_50 = arith.constant 0 : i32
        %dma_start3A_51 = tpu.memref_slice %arg3[%add3A_28, %dma_start3A_50] : memref<152x67600xi32, #tpu.memory_space<hbm>> -> memref<1x67600xi32, #tpu.memory_space<hbm>>
        %dma_start3A_52 = tpu.memref_squeeze %dma_start3A_51 : memref<1x67600xi32, #tpu.memory_space<hbm>> -> memref<67600xi32, #tpu.memory_space<hbm>>
        %dma_start3A_53 = arith.constant 0 : i32
        %dma_start3A_54 = tpu.memref_slice %arg3[%add3A_28, %dma_start3A_53] : memref<152x67600xi32, #tpu.memory_space<hbm>> -> memref<1x67600xi32, #tpu.memory_space<hbm>>
        %dma_start3A_55 = tpu.memref_squeeze %dma_start3A_54 : memref<1x67600xi32, #tpu.memory_space<hbm>> -> memref<67600xi32, #tpu.memory_space<hbm>>
        tpu.enqueue_dma source(%arg4 : memref<67600xi32, #tpu.memory_space<vmem>>) target(%dma_start3A_55 : memref<67600xi32, #tpu.memory_space<hbm>>) target_semaphore(%run_scoped3A : memref<!tpu.dma_semaphore, #tpu.memory_space<semaphore_mem>>)
        %dma_wait3A = arith.constant 0 : i32
        %dma_wait3A_56 = tpu.memref_slice %arg3[%add3A_28, %dma_wait3A] : memref<152x67600xi32, #tpu.memory_space<hbm>> -> memref<1x67600xi32, #tpu.memory_space<hbm>>
        %dma_wait3A_57 = tpu.memref_squeeze %dma_wait3A_56 : memref<1x67600xi32, #tpu.memory_space<hbm>> -> memref<67600xi32, #tpu.memory_space<hbm>>
        %dma_wait3A_58 = arith.constant 0 : i32
        %dma_wait3A_59 = tpu.memref_slice %arg3[%add3A_28, %dma_wait3A_58] : memref<152x67600xi32, #tpu.memory_space<hbm>> -> memref<1x67600xi32, #tpu.memory_space<hbm>>
        %dma_wait3A_60 = tpu.memref_squeeze %dma_wait3A_59 : memref<1x67600xi32, #tpu.memory_space<hbm>> -> memref<67600xi32, #tpu.memory_space<hbm>>
        tpu.wait_dma2 semaphore(%run_scoped3A : memref<!tpu.dma_semaphore, #tpu.memory_space<semaphore_mem>>) src(%arg4 : memref<67600xi32, #tpu.memory_space<vmem>>) dst(%dma_wait3A_60 : memref<67600xi32, #tpu.memory_space<hbm>>)
        tpu.yield
      }) : () -> ()
      %parallel_loop3A_47 = arith.constant 0 : i32
      %parallel_loop3A_48 = arith.constant 4225 : i32
      %parallel_loop3A_49 = arith.constant 1 : i32
      scf.for %parallel_loop3A_50 = %parallel_loop3A_47 to %parallel_loop3A_48 step %parallel_loop3A_49  : i32 {
        %parallel_loop3A_51 = arith.constant 16 : i32
        %parallel_loop3A_52 = arith.muli %parallel_loop3A_50, %parallel_loop3A_51 : i32
        %parallel_loop3A_53 = arith.index_cast %parallel_loop3A_52 : i32 to index
        %parallel_loop3A_54 = tpu.vector_load %arg4[%parallel_loop3A_53] {strides = array<i32>} : memref<67600xi32, #tpu.memory_space<vmem>>, vector<16xi32>,
        tpu.vector_store %arg4[%parallel_loop3A_53], %broadcast_in_dim3A_3 {strides = array<i32>} : memref<67600xi32, #tpu.memory_space<vmem>>, vector<16xi32>,
      } {sc.loop_unroll_factor = 8 : i64, sc.parallel_access}
    } else {
    }
    %add3A_34 = arith.constant 128 : i32
    %add3A_35 = arith.addi %add3A, %add3A_34 : i32
    %lt3A_36 = arith.constant 152 : i32
    %lt3A_37 = arith.cmpi slt, %add3A_35, %lt3A_36 : i32
    %convert_element_type3A_38 = arith.extui %lt3A_37 : i1 to i32
    %cond3A_39 = arith.constant 0 : i32
    %cond3A_40 = arith.cmpi ne, %convert_element_type3A_38, %cond3A_39 : i32
    scf.if %cond3A_40 {
      %mul3A_41 = arith.constant 131072 : i32
      %mul3A_42 = arith.muli %add3A_35, %mul3A_41 : i32
      %scan3A = arith.constant 0 : i32
      %scan3A_43 = arith.constant 4 : i32
      %scan3A_44 = arith.addi %scan3A, %scan3A_43 : i32
      %scan3A_45 = arith.constant 1 : i32
      scf.for %scan3A_50 = %scan3A to %scan3A_44 step %scan3A_45  : i32 {
        %mul3A_51 = arith.constant 32768 : i32
        %mul3A_52 = arith.muli %scan3A_50, %mul3A_51 : i32
        %add3A_53 = arith.addi %mul3A_42, %mul3A_52 : i32
        %add3A_54 = arith.constant 16384 : i32
        %add3A_55 = arith.addi %add3A_53, %add3A_54 : i32
        %dma_start3A_56 = tpu.memref_slice %arg2[%add3A_55] : memref<19922944xi32, #tpu.memory_space<hbm>> -> memref<16384xi32, #tpu.memory_space<hbm>>
        %dma_start3A_57 = tpu.memref_slice %arg2[%add3A_55] : memref<19922944xi32, #tpu.memory_space<hbm>> -> memref<16384xi32, #tpu.memory_space<hbm>>
        tpu.enqueue_dma source(%dma_start3A_57 : memref<16384xi32, #tpu.memory_space<hbm>>) target(%arg6 : memref<16384xi32, #tpu.memory_space<vmem>>) target_semaphore(%arg8 : memref<!tpu.dma_semaphore, #tpu.memory_space<semaphore_mem>>)
        %dma_wait3A = arith.constant 0 : i32
        %dma_wait3A_58 = tpu.memref_slice %arg2[%dma_wait3A] : memref<19922944xi32, #tpu.memory_space<hbm>> -> memref<16384xi32, #tpu.memory_space<hbm>>
        %dma_wait3A_59 = arith.constant 0 : i32
        %dma_wait3A_60 = tpu.memref_slice %arg2[%dma_wait3A_59] : memref<19922944xi32, #tpu.memory_space<hbm>> -> memref<16384xi32, #tpu.memory_space<hbm>>
        tpu.wait_dma2 semaphore(%arg7 : memref<!tpu.dma_semaphore, #tpu.memory_space<semaphore_mem>>) src(%dma_wait3A_60 : memref<16384xi32, #tpu.memory_space<hbm>>) dst(%arg5 : memref<16384xi32, #tpu.memory_space<vmem>>)
        %parallel_loop3A_61 = arith.constant 0 : i32
        %parallel_loop3A_62 = arith.constant 1024 : i32
        %parallel_loop3A_63 = arith.constant 1 : i32
        scf.for %parallel_loop3A_84 = %parallel_loop3A_61 to %parallel_loop3A_62 step %parallel_loop3A_63  : i32 {
          %parallel_loop3A_85 = arith.constant 16 : i32
          %parallel_loop3A_86 = arith.muli %parallel_loop3A_84, %parallel_loop3A_85 : i32
          %parallel_loop3A_87 = arith.index_cast %parallel_loop3A_86 : i32 to index
          %parallel_loop3A_88 = tpu.vector_load %arg5[%parallel_loop3A_87] {strides = array<i32>} : memref<16384xi32, #tpu.memory_space<vmem>>, vector<16xi32>,
          tpu.vector_store_idx %arg4[%parallel_loop3A_88], %broadcast_in_dim3A_1 {add = true} : memref<67600xi32, #tpu.memory_space<vmem>>[vector<16xi32>], vector<16xi32>,
        } {sc.loop_unroll_factor = 16 : i64, sc.parallel_access}
        %lt3A_64 = arith.constant 3 : i32
        %lt3A_65 = arith.cmpi slt, %scan3A_50, %lt3A_64 : i32
        %convert_element_type3A_66 = arith.extui %lt3A_65 : i1 to i32
        %cond3A_67 = arith.constant 0 : i32
        %cond3A_68 = arith.cmpi ne, %convert_element_type3A_66, %cond3A_67 : i32
        scf.if %cond3A_68 {
          %add3A_84 = arith.constant 32768 : i32
          %add3A_85 = arith.addi %add3A_53, %add3A_84 : i32
          %dma_start3A_86 = tpu.memref_slice %arg2[%add3A_85] : memref<19922944xi32, #tpu.memory_space<hbm>> -> memref<16384xi32, #tpu.memory_space<hbm>>
          %dma_start3A_87 = tpu.memref_slice %arg2[%add3A_85] : memref<19922944xi32, #tpu.memory_space<hbm>> -> memref<16384xi32, #tpu.memory_space<hbm>>
          tpu.enqueue_dma source(%dma_start3A_87 : memref<16384xi32, #tpu.memory_space<hbm>>) target(%arg5 : memref<16384xi32, #tpu.memory_space<vmem>>) target_semaphore(%arg7 : memref<!tpu.dma_semaphore, #tpu.memory_space<semaphore_mem>>)
        } else {
        }
        %eq3A = arith.constant 3 : i32
        %eq3A_69 = arith.cmpi eq, %scan3A_50, %eq3A : i32
        %add3A_70 = arith.constant 32 : i32
        %add3A_71 = arith.addi %add3A_35, %add3A_70 : i32
        %lt3A_72 = arith.constant 152 : i32
        %lt3A_73 = arith.cmpi slt, %add3A_71, %lt3A_72 : i32
        %and3A = arith.andi %eq3A_69, %lt3A_73 : i1
        %convert_element_type3A_74 = arith.extui %and3A : i1 to i32
        %cond3A_75 = arith.constant 0 : i32
        %cond3A_76 = arith.cmpi ne, %convert_element_type3A_74, %cond3A_75 : i32
        scf.if %cond3A_76 {
          %add3A_84 = arith.constant 32 : i32
          %add3A_85 = arith.addi %add3A_35, %add3A_84 : i32
          %mul3A_86 = arith.constant 131072 : i32
          %mul3A_87 = arith.muli %add3A_85, %mul3A_86 : i32
          %dma_start3A_88 = tpu.memref_slice %arg2[%mul3A_87] : memref<19922944xi32, #tpu.memory_space<hbm>> -> memref<16384xi32, #tpu.memory_space<hbm>>
          %dma_start3A_89 = tpu.memref_slice %arg2[%mul3A_87] : memref<19922944xi32, #tpu.memory_space<hbm>> -> memref<16384xi32, #tpu.memory_space<hbm>>
          tpu.enqueue_dma source(%dma_start3A_89 : memref<16384xi32, #tpu.memory_space<hbm>>) target(%arg5 : memref<16384xi32, #tpu.memory_space<vmem>>) target_semaphore(%arg7 : memref<!tpu.dma_semaphore, #tpu.memory_space<semaphore_mem>>)
        } else {
        }
        %dma_wait3A_77 = arith.constant 0 : i32
        %dma_wait3A_78 = tpu.memref_slice %arg2[%dma_wait3A_77] : memref<19922944xi32, #tpu.memory_space<hbm>> -> memref<16384xi32, #tpu.memory_space<hbm>>
        %dma_wait3A_79 = arith.constant 0 : i32
        %dma_wait3A_80 = tpu.memref_slice %arg2[%dma_wait3A_79] : memref<19922944xi32, #tpu.memory_space<hbm>> -> memref<16384xi32, #tpu.memory_space<hbm>>
        tpu.wait_dma2 semaphore(%arg8 : memref<!tpu.dma_semaphore, #tpu.memory_space<semaphore_mem>>) src(%dma_wait3A_80 : memref<16384xi32, #tpu.memory_space<hbm>>) dst(%arg6 : memref<16384xi32, #tpu.memory_space<vmem>>)
        %parallel_loop3A_81 = arith.constant 0 : i32
        %parallel_loop3A_82 = arith.constant 1024 : i32
        %parallel_loop3A_83 = arith.constant 1 : i32
        scf.for %parallel_loop3A_84 = %parallel_loop3A_81 to %parallel_loop3A_82 step %parallel_loop3A_83  : i32 {
          %parallel_loop3A_85 = arith.constant 16 : i32
          %parallel_loop3A_86 = arith.muli %parallel_loop3A_84, %parallel_loop3A_85 : i32
          %parallel_loop3A_87 = arith.index_cast %parallel_loop3A_86 : i32 to index
          %parallel_loop3A_88 = tpu.vector_load %arg6[%parallel_loop3A_87] {strides = array<i32>} : memref<16384xi32, #tpu.memory_space<vmem>>, vector<16xi32>,
          tpu.vector_store_idx %arg4[%parallel_loop3A_88], %broadcast_in_dim3A_1 {add = true} : memref<67600xi32, #tpu.memory_space<vmem>>[vector<16xi32>], vector<16xi32>,
        } {sc.loop_unroll_factor = 16 : i64, sc.parallel_access}
      }
      %scan3A_46 = arith.constant 4 : i32
      "tpu.region"() ({
        %run_scoped3A = tpu.sem_alloc : memref<!tpu.dma_semaphore, #tpu.memory_space<semaphore_mem>>
        %dma_start3A_50 = arith.constant 0 : i32
        %dma_start3A_51 = tpu.memref_slice %arg3[%add3A_35, %dma_start3A_50] : memref<152x67600xi32, #tpu.memory_space<hbm>> -> memref<1x67600xi32, #tpu.memory_space<hbm>>
        %dma_start3A_52 = tpu.memref_squeeze %dma_start3A_51 : memref<1x67600xi32, #tpu.memory_space<hbm>> -> memref<67600xi32, #tpu.memory_space<hbm>>
        %dma_start3A_53 = arith.constant 0 : i32
        %dma_start3A_54 = tpu.memref_slice %arg3[%add3A_35, %dma_start3A_53] : memref<152x67600xi32, #tpu.memory_space<hbm>> -> memref<1x67600xi32, #tpu.memory_space<hbm>>
        %dma_start3A_55 = tpu.memref_squeeze %dma_start3A_54 : memref<1x67600xi32, #tpu.memory_space<hbm>> -> memref<67600xi32, #tpu.memory_space<hbm>>
        tpu.enqueue_dma source(%arg4 : memref<67600xi32, #tpu.memory_space<vmem>>) target(%dma_start3A_55 : memref<67600xi32, #tpu.memory_space<hbm>>) target_semaphore(%run_scoped3A : memref<!tpu.dma_semaphore, #tpu.memory_space<semaphore_mem>>)
        %dma_wait3A = arith.constant 0 : i32
        %dma_wait3A_56 = tpu.memref_slice %arg3[%add3A_35, %dma_wait3A] : memref<152x67600xi32, #tpu.memory_space<hbm>> -> memref<1x67600xi32, #tpu.memory_space<hbm>>
        %dma_wait3A_57 = tpu.memref_squeeze %dma_wait3A_56 : memref<1x67600xi32, #tpu.memory_space<hbm>> -> memref<67600xi32, #tpu.memory_space<hbm>>
        %dma_wait3A_58 = arith.constant 0 : i32
        %dma_wait3A_59 = tpu.memref_slice %arg3[%add3A_35, %dma_wait3A_58] : memref<152x67600xi32, #tpu.memory_space<hbm>> -> memref<1x67600xi32, #tpu.memory_space<hbm>>
        %dma_wait3A_60 = tpu.memref_squeeze %dma_wait3A_59 : memref<1x67600xi32, #tpu.memory_space<hbm>> -> memref<67600xi32, #tpu.memory_space<hbm>>
        tpu.wait_dma2 semaphore(%run_scoped3A : memref<!tpu.dma_semaphore, #tpu.memory_space<semaphore_mem>>) src(%arg4 : memref<67600xi32, #tpu.memory_space<vmem>>) dst(%dma_wait3A_60 : memref<67600xi32, #tpu.memory_space<hbm>>)
        tpu.yield
      }) : () -> ()
      %parallel_loop3A_47 = arith.constant 0 : i32
      %parallel_loop3A_48 = arith.constant 4225 : i32
      %parallel_loop3A_49 = arith.constant 1 : i32
      scf.for %parallel_loop3A_50 = %parallel_loop3A_47 to %parallel_loop3A_48 step %parallel_loop3A_49  : i32 {
        %parallel_loop3A_51 = arith.constant 16 : i32
        %parallel_loop3A_52 = arith.muli %parallel_loop3A_50, %parallel_loop3A_51 : i32
        %parallel_loop3A_53 = arith.index_cast %parallel_loop3A_52 : i32 to index
        %parallel_loop3A_54 = tpu.vector_load %arg4[%parallel_loop3A_53] {strides = array<i32>} : memref<67600xi32, #tpu.memory_space<vmem>>, vector<16xi32>,
        tpu.vector_store %arg4[%parallel_loop3A_53], %broadcast_in_dim3A_3 {strides = array<i32>} : memref<67600xi32, #tpu.memory_space<vmem>>, vector<16xi32>,
      } {sc.loop_unroll_factor = 8 : i64, sc.parallel_access}
    } else {
    }
    return
  }
}

module attributes {stable_mosaic.version = 14 : i64} {
  func.func @_encode_body(%arg0: i32, %arg1: i32, %arg2: memref<1x19x64x512xf32, #tpu.memory_space<vmem>>, %arg3: memref<1x64x512xi32, #tpu.memory_space<vmem>>, %arg4: memref<19x256x128xi32, #tpu.memory_space<vmem>>) attributes {dimension_semantics = [#tpu.dimension_semantics<arbitrary>, #tpu.dimension_semantics<arbitrary>], iteration_bounds = array<i64: 4, 8>, scalar_prefetch = 0 : i64, scratch_operands = 0 : i64, tpu.core_type = #tpu.core_type<tc>, window_params = [{transform_indices = @transform_0, window_bounds = array<i64: 1, 19, 64, 512>}, {transform_indices = @transform_1, window_bounds = array<i64: 1, 64, 512>}, {transform_indices = @transform_2, window_bounds = array<i64: 19, 256, 128>}]} {
    %get3A = arith.constant 0 : index
    %get3A_0 = arith.constant 0 : index
    %get3A_1 = arith.constant 0 : index
    %get3A_2 = arith.constant 0 : index
    %get3A_3 = vector.load %arg2[%get3A, %get3A_0, %get3A_1, %get3A_2] : memref<1x19x64x512xf32, #tpu.memory_space<vmem>>, vector<1x19x64x512xf32>
    %get3A_4 = vector.shape_cast %get3A_3 : vector<1x19x64x512xf32> to vector<19x64x512xf32>
    %get3A_5 = arith.constant 0 : index
    %get3A_6 = arith.constant 0 : index
    %get3A_7 = arith.constant 0 : index
    %get3A_8 = vector.load %arg3[%get3A_5, %get3A_6, %get3A_7] : memref<1x64x512xi32, #tpu.memory_space<vmem>>, vector<1x64x512xi32>
    %get3A_9 = vector.shape_cast %get3A_8 : vector<1x64x512xi32> to vector<64x512xi32>
    %reduce_max3A = arith.constant dense<0xFF800000> : vector<64x512xf32>
    %reduce_max3A_10 = vector.multi_reduction <maximumf>, %get3A_4, %reduce_max3A [0] : vector<19x64x512xf32> to vector<64x512xf32>
    %broadcast_in_dim3A = vector.shape_cast %reduce_max3A_10 : vector<64x512xf32> to vector<1x64x512xf32>
    %sub3A = vector.broadcast %broadcast_in_dim3A : vector<1x64x512xf32> to vector<19x64x512xf32>
    %sub3A_11 = arith.subf %get3A_4, %sub3A : vector<19x64x512xf32>
    %exp3A = math.exp %sub3A_11 : vector<19x64x512xf32>
    %reduce_sum3A = arith.constant dense<0.000000e+00> : vector<64x512xf32>
    %reduce_sum3A_12 = vector.multi_reduction <add>, %exp3A, %reduce_sum3A [0] : vector<19x64x512xf32> to vector<64x512xf32>
    %div3A = arith.constant 1.000000e+00 : f32
    %div3A_13 = vector.broadcast %div3A : f32 to vector<64x512xf32>
    %div3A_14 = arith.divf %div3A_13, %reduce_sum3A_12 : vector<64x512xf32>
    %broadcast_in_dim3A_15 = vector.shape_cast %div3A_14 : vector<64x512xf32> to vector<1x64x512xf32>
    %mul3A = vector.broadcast %broadcast_in_dim3A_15 : vector<1x64x512xf32> to vector<19x64x512xf32>
    %mul3A_16 = arith.mulf %exp3A, %mul3A : vector<19x64x512xf32>
    %ne3A = arith.constant 0 : i32
    %ne3A_17 = vector.broadcast %ne3A : i32 to vector<64x512xi32>
    %ne3A_18 = arith.cmpi ne, %get3A_9, %ne3A_17 : vector<64x512xi32>
    %iota3A = tpu.iota {dimensions = array<i32: 0>} : vector<19x64x512xi32>
    %broadcast_in_dim3A_19 = vector.shape_cast %get3A_9 : vector<64x512xi32> to vector<1x64x512xi32>
    %eq3A = vector.broadcast %broadcast_in_dim3A_19 : vector<1x64x512xi32> to vector<19x64x512xi32>
    %eq3A_20 = arith.cmpi eq, %eq3A, %iota3A : vector<19x64x512xi32>
    %broadcast_in_dim3A_21 = vector.shape_cast %ne3A_18 : vector<64x512xi1> to vector<1x64x512xi1>
    %and3A = vector.broadcast %broadcast_in_dim3A_21 : vector<1x64x512xi1> to vector<19x64x512xi1>
    %and3A_22 = arith.andi %eq3A_20, %and3A : vector<19x64x512xi1>
    %sub3A_23 = arith.constant 1.000000e+00 : f32
    %sub3A_24 = vector.broadcast %sub3A_23 : f32 to vector<19x64x512xf32>
    %sub3A_25 = arith.subf %sub3A_24, %mul3A_16 : vector<19x64x512xf32>
    %select_n3A = arith.select %and3A_22, %sub3A_25, %mul3A_16 : vector<19x64x512xi1>, vector<19x64x512xf32>
    %mul3A_26 = arith.constant 2.048000e+03 : f32
    %mul3A_27 = vector.broadcast %mul3A_26 : f32 to vector<19x64x512xf32>
    %mul3A_28 = arith.mulf %select_n3A, %mul3A_27 : vector<19x64x512xf32>
    %convert_element_type3A = arith.fptosi %mul3A_28 : vector<19x64x512xf32> to vector<19x64x512xi32>
    %jit3A = arith.constant 0 : i32
    %jit3A_29 = arith.constant 2047 : i32
    %max3A = vector.broadcast %jit3A : i32 to vector<19x64x512xi32>
    %max3A_30 = arith.maxsi %max3A, %convert_element_type3A : vector<19x64x512xi32>
    %min3A = vector.broadcast %jit3A_29 : i32 to vector<19x64x512xi32>
    %min3A_31 = arith.minsi %min3A, %max3A_30 : vector<19x64x512xi32>
    %add3A = arith.constant 2048 : i32
    %add3A_32 = vector.broadcast %add3A : i32 to vector<19x64x512xi32>
    %add3A_33 = arith.addi %add3A_32, %min3A_31 : vector<19x64x512xi32>
    %select_n3A_34 = arith.select %and3A_22, %add3A_33, %min3A_31 : vector<19x64x512xi1>, vector<19x64x512xi32>
    %broadcast_in_dim3A_35 = vector.shape_cast %ne3A_18 : vector<64x512xi1> to vector<1x64x512xi1>
    %jit3A_36 = arith.constant 4096 : i32
    %broadcast_in_dim3A_37 = vector.shape_cast %broadcast_in_dim3A_35 : vector<1x64x512xi1> to vector<1x64x512xi1>
    %broadcast_in_dim3A_38 = vector.broadcast %broadcast_in_dim3A_37 : vector<1x64x512xi1> to vector<19x64x512xi1>
    %broadcast_in_dim3A_39 = vector.broadcast %jit3A_36 : i32 to vector<19x64x512xi32>
    %select_n3A_40 = arith.select %broadcast_in_dim3A_38, %select_n3A_34, %broadcast_in_dim3A_39 : vector<19x64x512xi1>, vector<19x64x512xi32>
    %iota3A_41 = tpu.iota {dimensions = array<i32: 1>} : vector<64x512xi32>
    %jit3A_42 = arith.constant 16 : i32
    %eq3A_43 = arith.constant 0 : i32
    %eq3A_44 = arith.cmpi eq, %jit3A_42, %eq3A_43 : i32
    %jit3A_45 = arith.constant 1 : i32
    %select_n3A_46 = arith.select %eq3A_44, %jit3A_45, %jit3A_42 : i32
    %rem3A = vector.broadcast %select_n3A_46 : i32 to vector<64x512xi32>
    %rem3A_47 = arith.remsi %iota3A_41, %rem3A : vector<64x512xi32>
    %ne3A_48 = arith.constant 0 : i32
    %ne3A_49 = vector.broadcast %ne3A_48 : i32 to vector<64x512xi32>
    %ne3A_50 = arith.cmpi ne, %rem3A_47, %ne3A_49 : vector<64x512xi32>
    %lt3A = arith.constant 0 : i32
    %lt3A_51 = vector.broadcast %lt3A : i32 to vector<64x512xi32>
    %lt3A_52 = arith.cmpi slt, %rem3A_47, %lt3A_51 : vector<64x512xi32>
    %lt3A_53 = arith.constant 0 : i32
    %lt3A_54 = arith.cmpi slt, %select_n3A_46, %lt3A_53 : i32
    %ne3A_55 = vector.broadcast %lt3A_54 : i1 to vector<64x512xi1>
    %ne3A_56 = vector.broadcast %ne3A_55 : vector<64x512xi1> to vector<64x512xi1>
    %ne3A_57 = arith.xori %lt3A_52, %ne3A_56 : vector<64x512xi1>
    %and3A_58 = arith.andi %ne3A_57, %ne3A_50 : vector<64x512xi1>
    %add3A_59 = vector.broadcast %select_n3A_46 : i32 to vector<64x512xi32>
    %add3A_60 = arith.addi %rem3A_47, %add3A_59 : vector<64x512xi32>
    %select_n3A_61 = arith.select %and3A_58, %add3A_60, %rem3A_47 : vector<64x512xi1>, vector<64x512xi32>
    %jit3A_62 = arith.constant 16 : i32
    %div3A_63 = vector.broadcast %jit3A_62 : i32 to vector<64x512xi32>
    %div3A_64 = arith.divsi %iota3A_41, %div3A_63 : vector<64x512xi32>
    %sign3A = arith.constant 0 : i32
    %sign3A_65 = vector.broadcast %sign3A : i32 to vector<64x512xi32>
    %sign3A_66 = arith.cmpi sgt, %iota3A_41, %sign3A_65 : vector<64x512xi32>
    %sign3A_67 = arith.extui %sign3A_66 : vector<64x512xi1> to vector<64x512xi32>
    %sign3A_68 = arith.constant 0 : i32
    %sign3A_69 = vector.broadcast %sign3A_68 : i32 to vector<64x512xi32>
    %sign3A_70 = arith.cmpi slt, %iota3A_41, %sign3A_69 : vector<64x512xi32>
    %sign3A_71 = arith.extui %sign3A_70 : vector<64x512xi1> to vector<64x512xi32>
    %sign3A_72 = arith.subi %sign3A_67, %sign3A_71 : vector<64x512xi32>
    %sign3A_73 = arith.constant 0 : i32
    %sign3A_74 = arith.cmpi sgt, %jit3A_62, %sign3A_73 : i32
    %sign3A_75 = arith.extui %sign3A_74 : i1 to i32
    %sign3A_76 = arith.constant 0 : i32
    %sign3A_77 = arith.cmpi slt, %jit3A_62, %sign3A_76 : i32
    %sign3A_78 = arith.extui %sign3A_77 : i1 to i32
    %sign3A_79 = arith.subi %sign3A_75, %sign3A_78 : i32
    %ne3A_80 = vector.broadcast %sign3A_79 : i32 to vector<64x512xi32>
    %ne3A_81 = arith.cmpi ne, %sign3A_72, %ne3A_80 : vector<64x512xi32>
    %rem3A_82 = vector.broadcast %jit3A_62 : i32 to vector<64x512xi32>
    %rem3A_83 = arith.remsi %iota3A_41, %rem3A_82 : vector<64x512xi32>
    %ne3A_84 = arith.constant 0 : i32
    %ne3A_85 = vector.broadcast %ne3A_84 : i32 to vector<64x512xi32>
    %ne3A_86 = arith.cmpi ne, %rem3A_83, %ne3A_85 : vector<64x512xi32>
    %and3A_87 = arith.andi %ne3A_81, %ne3A_86 : vector<64x512xi1>
    %sub3A_88 = arith.constant 1 : i32
    %sub3A_89 = vector.broadcast %sub3A_88 : i32 to vector<64x512xi32>
    %sub3A_90 = arith.subi %div3A_64, %sub3A_89 : vector<64x512xi32>
    %select_n3A_91 = arith.select %and3A_87, %sub3A_90, %div3A_64 : vector<64x512xi1>, vector<64x512xi32>
    %add3A_92 = arith.addi %select_n3A_61, %select_n3A_91 : vector<64x512xi32>
    %jit3A_93 = arith.constant 16 : i32
    %eq3A_94 = arith.constant 0 : i32
    %eq3A_95 = arith.cmpi eq, %jit3A_93, %eq3A_94 : i32
    %jit3A_96 = arith.constant 1 : i32
    %select_n3A_97 = arith.select %eq3A_95, %jit3A_96, %jit3A_93 : i32
    %rem3A_98 = vector.broadcast %select_n3A_97 : i32 to vector<64x512xi32>
    %rem3A_99 = arith.remsi %add3A_92, %rem3A_98 : vector<64x512xi32>
    %ne3A_100 = arith.constant 0 : i32
    %ne3A_101 = vector.broadcast %ne3A_100 : i32 to vector<64x512xi32>
    %ne3A_102 = arith.cmpi ne, %rem3A_99, %ne3A_101 : vector<64x512xi32>
    %lt3A_103 = arith.constant 0 : i32
    %lt3A_104 = vector.broadcast %lt3A_103 : i32 to vector<64x512xi32>
    %lt3A_105 = arith.cmpi slt, %rem3A_99, %lt3A_104 : vector<64x512xi32>
    %lt3A_106 = arith.constant 0 : i32
    %lt3A_107 = arith.cmpi slt, %select_n3A_97, %lt3A_106 : i32
    %ne3A_108 = vector.broadcast %lt3A_107 : i1 to vector<64x512xi1>
    %ne3A_109 = vector.broadcast %ne3A_108 : vector<64x512xi1> to vector<64x512xi1>
    %ne3A_110 = arith.xori %lt3A_105, %ne3A_109 : vector<64x512xi1>
    %and3A_111 = arith.andi %ne3A_110, %ne3A_102 : vector<64x512xi1>
    %add3A_112 = vector.broadcast %select_n3A_97 : i32 to vector<64x512xi32>
    %add3A_113 = arith.addi %rem3A_99, %add3A_112 : vector<64x512xi32>
    %select_n3A_114 = arith.select %and3A_111, %add3A_113, %rem3A_99 : vector<64x512xi1>, vector<64x512xi32>
    %mul3A_115 = arith.constant 4225 : i32
    %mul3A_116 = vector.broadcast %mul3A_115 : i32 to vector<64x512xi32>
    %mul3A_117 = arith.muli %select_n3A_114, %mul3A_116 : vector<64x512xi32>
    %broadcast_in_dim3A_118 = vector.shape_cast %mul3A_117 : vector<64x512xi32> to vector<1x64x512xi32>
    %add3A_119 = vector.broadcast %broadcast_in_dim3A_118 : vector<1x64x512xi32> to vector<19x64x512xi32>
    %add3A_120 = arith.addi %select_n3A_40, %add3A_119 : vector<19x64x512xi32>
    %reshape3A = vector.shape_cast %add3A_120 : vector<19x64x512xi32> to vector<19x256x128xi32>
    %swap3A = arith.constant 0 : index
    %swap3A_121 = arith.constant 0 : index
    %swap3A_122 = arith.constant 0 : index
    %swap3A_123 = vector.load %arg4[%swap3A, %swap3A_121, %swap3A_122] : memref<19x256x128xi32, #tpu.memory_space<vmem>>, vector<19x256x128xi32>
    tpu.vector_store %arg4[%swap3A, %swap3A_121, %swap3A_122], %reshape3A {strides = array<i32>} : memref<19x256x128xi32, #tpu.memory_space<vmem>>, vector<19x256x128xi32>,
    return
  }
  func.func @transform_0(%arg0: i32, %arg1: i32) -> (i32, i32, i32, i32) {
    %c0_i32 = arith.constant 0 : i32
    %c0_i32_0 = arith.constant 0 : i32
    %c0_i32_1 = arith.constant 0 : i32
    return %arg0, %c0_i32, %arg1, %c0_i32_0 : i32, i32, i32, i32
  }
  func.func @transform_1(%arg0: i32, %arg1: i32) -> (i32, i32, i32) {
    %c0_i32 = arith.constant 0 : i32
    %c0_i32_0 = arith.constant 0 : i32
    return %arg0, %arg1, %c0_i32 : i32, i32, i32
  }
  func.func @transform_2(%arg0: i32, %arg1: i32) -> (i32, i32, i32) {
    %mul3A = arith.constant 8 : i32
    %mul3A_0 = arith.muli %arg0, %mul3A : i32
    %add3A = arith.addi %mul3A_0, %arg1 : i32
    %c0_i32 = arith.constant 0 : i32
    %c0_i32_1 = arith.constant 0 : i32
    %c0_i32_2 = arith.constant 0 : i32
    return %c0_i32, %add3A, %c0_i32_1 : i32, i32, i32
  }
}

module attributes {stable_mosaic.version = 14 : i64} {
  func.func @_finalize_body(%arg0: i32, %arg1: memref<1x128x4225xi32, #tpu.memory_space<vmem>>, %arg2: memref<1x1xf32, #tpu.memory_space<smem>>, %arg3: memref<2xf32, #tpu.memory_space<smem>>) attributes {dimension_semantics = [#tpu.dimension_semantics<arbitrary>], iteration_bounds = array<i64: 19>, scalar_prefetch = 0 : i64, scratch_operands = 1 : i64, tpu.core_type = #tpu.core_type<tc>, window_params = [{transform_indices = @transform_0, window_bounds = array<i64: 1, 128, 4225>}, {transform_indices = @transform_1, window_bounds = array<i64: 1, 1>}]} {
    %get3A = arith.constant 0 : index
    %get3A_0 = arith.constant 0 : index
    %get3A_1 = arith.constant 0 : index
    %get3A_2 = vector.load %arg1[%get3A, %get3A_0, %get3A_1] : memref<1x128x4225xi32, #tpu.memory_space<vmem>>, vector<1x128x4225xi32>
    %get3A_3 = vector.shape_cast %get3A_2 : vector<1x128x4225xi32> to vector<128x4225xi32>
    %convert_element_type3A = arith.sitofp %get3A_3 : vector<128x4225xi32> to vector<128x4225xf32>
    %reduce_sum3A = arith.constant dense<0.000000e+00> : vector<4225xf32>
    %reduce_sum3A_4 = vector.multi_reduction <add>, %convert_element_type3A, %reduce_sum3A [0] : vector<128x4225xf32> to vector<4225xf32>
    %slice3A = vector.extract_strided_slice %reduce_sum3A_4 {offsets = [2048], sizes = [2048], strides = [1]} : vector<4225xf32> to vector<2048xf32>
    %reshape3A = vector.shape_cast %slice3A : vector<2048xf32> to vector<16x128xf32>
    %slice3A_5 = vector.extract_strided_slice %reduce_sum3A_4 {offsets = [0], sizes = [2048], strides = [1]} : vector<4225xf32> to vector<2048xf32>
    %reshape3A_6 = vector.shape_cast %slice3A_5 : vector<2048xf32> to vector<16x128xf32>
    %add3A = arith.addf %reshape3A_6, %reshape3A : vector<16x128xf32>
    %iota3A = tpu.iota {dimensions = array<i32: 0>} : vector<128x128xi32>
    %iota3A_7 = tpu.iota {dimensions = array<i32: 1>} : vector<128x128xi32>
    %ge3A = arith.cmpi sge, %iota3A, %iota3A_7 : vector<128x128xi32>
    %convert_element_type3A_8 = arith.extui %ge3A : vector<128x128xi1> to vector<128x128xi32>
    %convert_element_type3A_9 = arith.sitofp %convert_element_type3A_8 : vector<128x128xi32> to vector<128x128xf32>
    %dot_general3A = arith.constant dense<0.000000e+00> : vector<16x128xf32>
    %dot_general3A_10 = tpu.matmul %add3A, %convert_element_type3A_9, %dot_general3A {dimension_numbers = #tpu.dot_dimension_numbers<[1], [0], [0], [1], [0, 0, 1, 1], [], []>, transpose_lhs_hint = false} : vector<16x128xf32>, vector<128x128xf32>, vector<16x128xf32> -> vector<16x128xf32>
    %dot_general3A_11 = arith.constant dense<0.000000e+00> : vector<16x128xf32>
    %dot_general3A_12 = tpu.matmul %reshape3A, %convert_element_type3A_9, %dot_general3A_11 {dimension_numbers = #tpu.dot_dimension_numbers<[1], [0], [0], [1], [0, 0, 1, 1], [], []>, transpose_lhs_hint = false} : vector<16x128xf32>, vector<128x128xf32>, vector<16x128xf32> -> vector<16x128xf32>
    %slice3A_13 = vector.extract_strided_slice %dot_general3A_10 {offsets = [0, 0], sizes = [16, 1], strides = [1, 1]} : vector<16x128xf32> to vector<16x1xf32>
    %slice3A_14 = vector.extract_strided_slice %dot_general3A_12 {offsets = [0, 0], sizes = [16, 1], strides = [1, 1]} : vector<16x128xf32> to vector<16x1xf32>
    %iota3A_15 = tpu.iota {dimensions = array<i32: 0>} : vector<16x16xi32>
    %iota3A_16 = tpu.iota {dimensions = array<i32: 1>} : vector<16x16xi32>
    %gt3A = arith.cmpi sgt, %iota3A_16, %iota3A_15 : vector<16x16xi32>
    %convert_element_type3A_17 = arith.extui %gt3A : vector<16x16xi1> to vector<16x16xi32>
    %convert_element_type3A_18 = arith.sitofp %convert_element_type3A_17 : vector<16x16xi32> to vector<16x16xf32>
    %dot_general3A_19 = arith.constant dense<0.000000e+00> : vector<16x1xf32>
    %dot_general3A_20 = tpu.matmul %convert_element_type3A_18, %slice3A_13, %dot_general3A_19 {dimension_numbers = #tpu.dot_dimension_numbers<[1], [0], [0], [1], [0, 0, 1, 1], [], []>, transpose_lhs_hint = false} : vector<16x16xf32>, vector<16x1xf32>, vector<16x1xf32> -> vector<16x1xf32>
    %dot_general3A_21 = arith.constant dense<0.000000e+00> : vector<16x1xf32>
    %dot_general3A_22 = tpu.matmul %convert_element_type3A_18, %slice3A_14, %dot_general3A_21 {dimension_numbers = #tpu.dot_dimension_numbers<[1], [0], [0], [1], [0, 0, 1, 1], [], []>, transpose_lhs_hint = false} : vector<16x16xf32>, vector<16x1xf32>, vector<16x1xf32> -> vector<16x1xf32>
    %add3A_23 = vector.broadcast %dot_general3A_20 : vector<16x1xf32> to vector<16x128xf32>
    %add3A_24 = arith.addf %dot_general3A_10, %add3A_23 : vector<16x128xf32>
    %add3A_25 = vector.broadcast %dot_general3A_22 : vector<16x1xf32> to vector<16x128xf32>
    %add3A_26 = arith.addf %dot_general3A_12, %add3A_25 : vector<16x128xf32>
    %slice3A_27 = vector.extract_strided_slice %add3A_26 {offsets = [0, 0], sizes = [1, 1], strides = [1, 1]} : vector<16x128xf32> to vector<1x1xf32>
    %squeeze3A = vector.extract %slice3A_27[0, 0] : f32 from vector<1x1xf32>
    %sub3A = vector.broadcast %squeeze3A : f32 to vector<16x128xf32>
    %sub3A_28 = arith.subf %sub3A, %add3A_26 : vector<16x128xf32>
    %add3A_29 = vector.broadcast %squeeze3A : f32 to vector<16x128xf32>
    %add3A_30 = arith.addf %add3A_29, %add3A_24 : vector<16x128xf32>
    %sub3A_31 = arith.subf %add3A_30, %add3A_26 : vector<16x128xf32>
    %max3A = arith.constant 1.000000e+00 : f32
    %max3A_32 = vector.broadcast %max3A : f32 to vector<16x128xf32>
    %max3A_33 = arith.maximumf %sub3A_31, %max3A_32 : vector<16x128xf32>
    %div3A = arith.divf %sub3A_28, %max3A_33 : vector<16x128xf32>
    %sub3A_34 = arith.constant 1.000000e+00 : f32
    %sub3A_35 = vector.broadcast %sub3A_34 : f32 to vector<16x128xf32>
    %sub3A_36 = arith.subf %sub3A_35, %div3A : vector<16x128xf32>
    %reduce_sum3A_37 = vector.shape_cast %sub3A_36 : vector<16x128xf32> to vector<1x16x128xf32>
    %reduce_sum3A_38 = arith.constant dense<0.000000e+00> : vector<1xf32>
    %reduce_sum3A_39 = vector.multi_reduction <add>, %reduce_sum3A_37, %reduce_sum3A_38 [1, 2] : vector<1x16x128xf32> to vector<1xf32>
    %reduce_sum3A_40 = vector.shape_cast %reduce_sum3A_39 : vector<1xf32> to vector<1x1x1xf32>
    %reduce_sum3A_41 = vector.extract %reduce_sum3A_40[0, 0, 0] : f32 from vector<1x1x1xf32>
    %slice3A_42 = vector.extract_strided_slice %sub3A_36 {offsets = [0, 0], sizes = [1, 1], strides = [1, 1]} : vector<16x128xf32> to vector<1x1xf32>
    %squeeze3A_43 = vector.extract %slice3A_42[0, 0] : f32 from vector<1x1xf32>
    %mul3A = arith.constant 5.000000e-01 : f32
    %mul3A_44 = arith.mulf %mul3A, %squeeze3A_43 : f32
    %sub3A_45 = arith.subf %reduce_sum3A_41, %mul3A_44 : f32
    %mul3A_46 = arith.constant 4.8828125E-4 : f32
    %mul3A_47 = arith.mulf %sub3A_45, %mul3A_46 : f32
    %gt3A_48 = arith.constant 0.000000e+00 : f32
    %gt3A_49 = arith.cmpf ogt, %squeeze3A, %gt3A_48 : f32
    %convert_element_type3A_50 = arith.extui %gt3A_49 : i1 to i32
    %convert_element_type3A_51 = arith.sitofp %convert_element_type3A_50 : i32 to f32
    %eq3A = arith.constant 0 : i32
    %eq3A_52 = arith.cmpi eq, %arg0, %eq3A : i32
    %convert_element_type3A_53 = arith.extui %eq3A_52 : i1 to i32
    %cond3A = arith.constant 0 : i32
    %cond3A_54 = arith.cmpi ne, %convert_element_type3A_53, %cond3A : i32
    scf.if %cond3A_54 {
      %swap3A_70 = arith.constant 0.000000e+00 : f32
      %swap3A_71 = arith.constant 0 : index
      %swap3A_72 = memref.load %arg3[%swap3A_71] : memref<2xf32, #tpu.memory_space<smem>>
      memref.store %swap3A_70, %arg3[%swap3A_71] : memref<2xf32, #tpu.memory_space<smem>>
      %swap3A_73 = arith.constant 0.000000e+00 : f32
      %swap3A_74 = arith.constant 1 : index
      %swap3A_75 = memref.load %arg3[%swap3A_74] : memref<2xf32, #tpu.memory_space<smem>>
      memref.store %swap3A_73, %arg3[%swap3A_74] : memref<2xf32, #tpu.memory_space<smem>>
      %swap3A_76 = arith.constant 0.000000e+00 : f32
      %swap3A_77 = arith.constant 0 : index
      %swap3A_78 = arith.constant 0 : index
      %swap3A_79 = memref.load %arg2[%swap3A_77, %swap3A_78] : memref<1x1xf32, #tpu.memory_space<smem>>
      memref.store %swap3A_76, %arg2[%swap3A_77, %swap3A_78] : memref<1x1xf32, #tpu.memory_space<smem>>
    } else {
    }
    %get3A_55 = arith.constant 0 : index
    %get3A_56 = memref.load %arg3[%get3A_55] : memref<2xf32, #tpu.memory_space<smem>>
    %mul3A_57 = arith.mulf %mul3A_47, %convert_element_type3A_51 : f32
    %add3A_58 = arith.addf %get3A_56, %mul3A_57 : f32
    %swap3A = arith.constant 0 : index
    %swap3A_59 = memref.load %arg3[%swap3A] : memref<2xf32, #tpu.memory_space<smem>>
    memref.store %add3A_58, %arg3[%swap3A] : memref<2xf32, #tpu.memory_space<smem>>
    %get3A_60 = arith.constant 1 : index
    %get3A_61 = memref.load %arg3[%get3A_60] : memref<2xf32, #tpu.memory_space<smem>>
    %add3A_62 = arith.addf %get3A_61, %convert_element_type3A_51 : f32
    %swap3A_63 = arith.constant 1 : index
    %swap3A_64 = memref.load %arg3[%swap3A_63] : memref<2xf32, #tpu.memory_space<smem>>
    memref.store %add3A_62, %arg3[%swap3A_63] : memref<2xf32, #tpu.memory_space<smem>>
    %eq3A_65 = arith.constant 18 : i32
    %eq3A_66 = arith.cmpi eq, %arg0, %eq3A_65 : i32
    %convert_element_type3A_67 = arith.extui %eq3A_66 : i1 to i32
    %cond3A_68 = arith.constant 0 : i32
    %cond3A_69 = arith.cmpi ne, %convert_element_type3A_67, %cond3A_68 : i32
    scf.if %cond3A_69 {
      %get3A_70 = arith.constant 0 : index
      %get3A_71 = memref.load %arg3[%get3A_70] : memref<2xf32, #tpu.memory_space<smem>>
      %get3A_72 = arith.constant 1 : index
      %get3A_73 = memref.load %arg3[%get3A_72] : memref<2xf32, #tpu.memory_space<smem>>
      %max3A_74 = arith.constant 1.000000e+00 : f32
      %max3A_75 = arith.maximumf %get3A_73, %max3A_74 : f32
      %div3A_76 = arith.divf %get3A_71, %max3A_75 : f32
      %swap3A_77 = arith.constant 0 : index
      %swap3A_78 = arith.constant 0 : index
      %swap3A_79 = memref.load %arg2[%swap3A_77, %swap3A_78] : memref<1x1xf32, #tpu.memory_space<smem>>
      memref.store %div3A_76, %arg2[%swap3A_77, %swap3A_78] : memref<1x1xf32, #tpu.memory_space<smem>>
    } else {
    }
    return
  }
  func.func @transform_0(%arg0: i32) -> (i32, i32, i32) {
    %c0_i32 = arith.constant 0 : i32
    %c0_i32_0 = arith.constant 0 : i32
    %c0_i32_1 = arith.constant 0 : i32
    return %arg0, %c0_i32, %c0_i32_0 : i32, i32, i32
  }
  func.func @transform_1(%arg0: i32) -> (i32, i32) {
    %c0_i32 = arith.constant 0 : i32
    %c0_i32_0 = arith.constant 0 : i32
    %c0_i32_1 = arith.constant 0 : i32
    return %c0_i32, %c0_i32_0 : i32, i32
  }
}

</mosaic_0001>

<sc_bundles>
// kernel: kernel.5.cloned.1.call-start
scs
__scs_entry_jumppad:
0x0: {  	(pc) =	sbr.rel $0x88, $3  }
0x1: {  	(tag) =	ssettag $0x0;
	lr =	simm.s32 $0x1  }
0x2: {  	[smem:$0x3F9F] =	sst lr;
	_ =	strace $0xD0000000  }
0x3: {  	_ = 	snop  }
0x4: {  	_ = 	snop  }
0x5: {  	_ = 	snop  }
0x6: {  	_ = 	snop  }
0x7: {  	_ = 	snop  }
__scs_overlays_trampoline_lowered:
0x8: {  	[smem:$0x3FAE] =	sst s0  }
0x9: {  	[smem:$0x3FAF] =	sst s1  }
0xa: {  	[smem:$0x3FB0] =	sst s2  }
0xb: {  	[smem:$0x3FB1] =	sst s3  }
0xc: {  	[smem:$0x3FB2] =	sst s4  }
0xd: {  	[smem:$0x3FB3] =	sst s5  }
0xe: {  	[smem:$0x3FB4] =	sst s6  }
0xf: {  	[smem:$0x3FB5] =	sst s7  }
0x10: {  	[smem:$0x3FB6] =	sst s8  }
0x11: {  	[smem:$0x3FB7] =	sst s9;
	s0 =	simm.s32 @!p0 $0x0  }
0x12: {  	s1 =	sld [smem:$0x3F9D];
	s0 =	simm.s32 @p0 $0x1  }
0x13: {  	[smem:$0x3FB8] =	sst s0;
	s0 =	simm.s32 @!p1 $0x0  }
0x14: {  	s2 =	sld [smem:$0x3F9C];
	s0 =	simm.s32 @p1 $0x1  }
0x15: {  	[smem:$0x3FB9] =	sst s0;
	s0 =	simm.s32 @!p2 $0x0  }
0x16: {  	s3 =	sld [smem:$0x3FDB];
	s0 =	simm.s32 @p2 $0x1  }
0x17: {  	s4 =	simm.s32 $0x1BF5;
	[smem:$0x3FBB] =	sst s0  }
0x18: {  	s0 =	sld [smem:$0x3F9E];
	_ =	swait.ge [sflag:s4], $0x0  }
0x19: {  	s7 =	sld [smem:$0x3F9F]  }
0x1a: {  	s8 =	sadd.s32 $0xFFFFE003, lr  }
0x1b: {  	s9 =	sadd.s32 $0xFFFFFEF7, lr;
	s5 =	simm.s32 $0xFFFFFFFF;
	p2 =	slt.u32 s8, $0xFFFFF086  }
0x1c: {  	p1 =	slt.u32 s9, $0xF7A;
	s5 =	simm.s32 @!p2 $0x0  }
0x1d: {  	s5 =	simm.s32 @p1 $0x1;
	p0 =	seq.s32 s7, s2  }
0x1e: {  	s7 =	smul.u32 @!p0 $0xF7A, s2;
	p2 =	seq.s32 @!p0 s5, $0x0  }
0x1f: {  	s9 =	smul.u32 $0xF7A, s1;
	s8 =	simm.s32 @!p0 $0x1BF5;
	p2 =	por !p2, p0  }
0x20: {  	[sflag:s8] =	ssyncset.s32 @!p0 $0xFFFFF086;
	s6 =	sadd.s32 @!p0 s3, s7;
	s7 =	simm.s32 @!p0 $0x108  }
0x21: {  	s3 =	sadd.s32 s3, s9;
	s6 =	sadd.s32 @!p0 $0x88, s6;
	s7 =	simm.s32 @p2 $0x1082  }
0x22: {  	[simem:s7], [sflag:s8] =	dma.local @!p0 [hbm:s6], $0xF7A  }
0x23: {  	s9 =	sor.u32 $0xD0000000, s2;
	s6 =	simm.s32 $0x108;
	_ =	swait.ge @!p0 [sflag:s8], $0x0  }
0x24: {  	s3 =	sadd.s32 $0x88, s3;
	s6 =	simm.s32 @!p1 $0x1082;
	[sflag:s4] =	ssyncset.s32 $0xFFFFF086  }
0x25: {  	[simem:s6], [sflag:s4] =	dma.local [hbm:s3], $0xF7A  }
0x26: {  	[smem:$0x3F9F] =	sst s1;
	(tag) =	ssettag s2;
	_ =	strace s9  }
0x27: {  	s1 =	sld [smem:$0x3FAF]  }
0x28: {  	s2 =	sld [smem:$0x3FB0]  }
0x29: {  	s4 =	sld [smem:$0x3FB2]  }
0x2a: {  	p0 =	seq.s32 s5, $0x0;
	s5 =	sld [smem:$0x3FB3]  }
0x2b: {  	s6 =	sld [smem:$0x3FB4]  }
0x2c: {  	s7 =	sld [smem:$0x3FB5]  }
0x2d: {  	s3 =	simm.s32 $0x108;
	s8 =	sld [smem:$0x3FB6]  }
0x2e: {  	s3 =	simm.s32 @!p0 $0x1082;
	s9 =	sld [smem:$0x3FB7]  }
0x2f: {  	lr =	sadd.s32 s0, s3;
	s0 =	sld [smem:$0x3FAE]  }
0x30: {  	s3 =	sld [smem:$0x3FB1]  }
0x31: {  	[smem:$0x3FBA] =	sst s10  }
0x32: {  	s10 =	sld [smem:$0x3FB8];
	_ =	sdelay $0x3  }
0x33: {  	p0 =	seq.s32 s10, $0x1;
	s10 =	sld [smem:$0x3FBA];
	_ =	sdelay $0x3  }
0x34: {  	[smem:$0x3FBA] =	sst s10  }
0x35: {  	s10 =	sld [smem:$0x3FB9];
	_ =	sdelay $0x3  }
0x36: {  	p1 =	seq.s32 s10, $0x1;
	s10 =	sld [smem:$0x3FBA];
	_ =	sdelay $0x3  }
0x37: {  	[smem:$0x3FBA] =	sst s10  }
0x38: {  	s10 =	sld [smem:$0x3FBB]  }
0x39: {  	_ = 	snop;
	(pc) =	sbr.ind lr, $3  }
0x3a: {  	_ = 	snop  }
0x3b: {  	_ = 	snop  }
0x3c: {  	p2 =	seq.s32 s10, $0x1;
	s10 =	sld [smem:$0x3FBA]  }
0x3d: {  	_ =	shalt  }
0x3e: {  	_ =	shalt  }
0x3f: {  	_ =	shalt  }
0x40: {  	_ =	shalt  }
0x41: {  	_ =	shalt  }
0x42: {  	_ =	shalt  }
0x43: {  	_ =	shalt  }
0x44: {  	_ =	shalt  }
0x45: {  	_ =	shalt  }
0x46: {  	_ =	shalt  }
0x47: {  	_ =	shalt  }
0x48: {  	_ =	shalt  }
0x49: {  	_ =	shalt  }
0x4a: {  	_ =	shalt  }
0x4b: {  	_ =	shalt  }
0x4c: {  	_ =	shalt  }
0x4d: {  	_ =	shalt  }
0x4e: {  	_ =	shalt  }
0x4f: {  	_ =	shalt  }
0x50: {  	_ =	shalt  }
0x51: {  	_ =	shalt  }
0x52: {  	_ =	shalt  }
0x53: {  	_ =	shalt  }
0x54: {  	_ =	shalt  }
0x55: {  	_ =	shalt  }
0x56: {  	_ =	shalt  }
0x57: {  	_ =	shalt  }
0x58: {  	_ =	shalt  }
0x59: {  	_ =	shalt  }
0x5a: {  	_ =	shalt  }
0x5b: {  	_ =	shalt  }
0x5c: {  	_ =	shalt  }
0x5d: {  	_ =	shalt  }
0x5e: {  	_ =	shalt  }
0x5f: {  	_ =	shalt  }
0x60: {  	_ =	shalt  }
0x61: {  	_ =	shalt  }
0x62: {  	_ =	shalt  }
0x63: {  	_ =	shalt  }
0x64: {  	_ =	shalt  }
0x65: {  	_ =	shalt  }
0x66: {  	_ =	shalt  }
0x67: {  	_ =	shalt  }
0x68: {  	_ =	shalt  }
0x69: {  	_ =	shalt  }
0x6a: {  	_ =	shalt  }
0x6b: {  	_ =	shalt  }
0x6c: {  	_ =	shalt  }
0x6d: {  	_ =	shalt  }
0x6e: {  	_ =	shalt  }
0x6f: {  	_ =	shalt  }
0x70: {  	_ =	shalt  }
0x71: {  	_ =	shalt  }
0x72: {  	_ =	shalt  }
0x73: {  	_ =	shalt  }
0x74: {  	_ =	shalt  }
0x75: {  	_ =	shalt  }
0x76: {  	_ =	shalt  }
0x77: {  	_ =	shalt  }
0x78: {  	_ =	shalt  }
0x79: {  	_ =	shalt  }
0x7a: {  	_ =	shalt  }
0x7b: {  	_ =	shalt  }
0x7c: {  	_ =	shalt  }
0x7d: {  	_ =	shalt  }
0x7e: {  	_ =	shalt  }
0x7f: {  	_ =	shalt  }
0x80: {  	_ =	shalt  }
0x81: {  	_ =	shalt  }
0x82: {  	_ =	shalt  }
0x83: {  	_ =	shalt  }
0x84: {  	_ =	shalt  }
0x85: {  	_ =	shalt  }
0x86: {  	_ =	shalt  }
0x87: {  	_ =	shalt  }
.Lfunc_end0:
.L_simem_size_0:
called_computation_lowered:
.L_overlay_start_0:
0x88: {  	s2 =	sld [smem:$0x3FD9]  }
0x89: {  	s3 =	sld [smem:$0x3FFE];
	_ =	sdelay $0x1  }
0x8a: {  	s1 =	srdreg.scid  }
0x8b: {  	s0 =	sand.u32 $0x1, s1  }
0x8c: {  	s16 =	sshll.u32 s0, $0xA;
	s2 =	sadd.s32 s3, s2  }
0x8d: {  	s2 =	sadd.s32 s2, s16  }
0x8e: {  	[smem:$0x3FC6] =	sst s2  }
0x8f: {  	_ = 	snop  }
0x90: {  	(tm) =	ssettm $0x1  }
0x91: {  	s17 =	sld [smem:$0x3FFB];
	_ =	sdelay $0x3  }
0x92: {  	_ =	strace s17  }
0x93: {  	s2 =	sld [smem:$0x3FFC];
	_ =	sdelay $0x3  }
0x94: {  	_ =	strace s2  }
0x95: {  	s2 =	sld [smem:$0x3FFD];
	_ =	sdelay $0x3  }
0x96: {  	_ =	strace s2  }
0x97: {  	_ =	strace $0x8FFFFFFF  }
0x98: {  	s18 =	sld [smem:$0x3FDB];
	_ =	sdelay $0x1  }
0x99: {  	s19 =	simm.s32 $_scs_section_size  }
0x9a: {  	s4 =	simm.s32 $_size__tile_overlayer_lowered;
	s5 =	simm.s32 $_tile_overlayer_lowered  }
0x9b: {  	s22 =	simm.s32 $0x1BFF;
	s21 =	sshll.u32 s5, $0x1;
	s2 =	sadd.s32 s19, s18  }
0x9c: {  	s6 =	simm.s32 $0x0;
	s20 =	sshll.u32 s4, $0x1;
	s4 =	sadd.s32 s21, s2  }
0x9d: {  	[timem:s6], [sflag:s22] =	dma.local [hbm:s4], s20  }
0x9e: {  	_ =	swait.ge [sflag:s22], s20  }
0x9f: {  	s3 =	ssub.s32 $0x0, s20;
	[sflag:s22] =	ssyncset.done $0x0  }
0xa0: {  	[sflag:s22] =	ssyncadd.s32 s3;
	_ =	sdelay $0x1  }
0xa1: {  	s23 =	simm.s32 $0x1B8B  }
0xa2: {  	_ =	swait.ge [sflag:s23], $0x1  }
0xa3: {  	[sflag:s23] =	ssyncset.done $0x0  }
0xa4: {  	s25 =	simm.s32 $0x1B8E;
	s24 =	sld [smem:$0x3FFE];
	[sflag:s23] =	ssyncadd.s32 $0xFFFFFFFF  }
0xa5: {  	s26 =	simm.s32 $execute0_lowered;
	[smem:$0x3FD2] =	sst s25  }
0xa6: {  	s4 =	sshll.u32 s26, $0x1;
	_ =	strace $0x80000046;
	[dreg:$0x1] =	wrdreg $0xFFFFFFFF  }
0xa7: {  	s28 =	simm.s32 $_size_execute0_lowered;
	s2 =	sadd.s32 s2, s4;
	[dreg:$0x0] =	wrdreg $0x0  }
0xa8: {  	s4 =	sshll.u32 s28, $0x1;
	[dreg:$0x2] =	wrdreg s2  }
0xa9: {  	[dreg:$0x3] =	wrdreg s4  }
0xaa: {  	[dreg:$0x4] =	wrdreg $0xC0  }
0xab: {  	_ =	task [dreg:s6], $0x5FFFF  }
0xac: {  	[dreg:$0x1] =	wrdreg $0xFFFFFFFF  }
0xad: {  	[dreg:$0x0] =	wrdreg $0x60  }
0xae: {  	[dreg:$0x2] =	wrdreg s24  }
0xaf: {  	[dreg:$0x3] =	wrdreg $0x9  }
0xb0: {  	_ =	task.clear_ibuf [dreg:s6], $0x4FFFF;
	_ =	strace $0x90000046  }
0xb1: {  	s29 =	simm.s32 $0x9;
	_ =	strace $0x80000048  }
0xb2: {  	_ =	swait.ge [sflag:s29], $0x1  }
0xb3: {  	[sflag:s29] =	ssyncadd.s32 $0xFFFFFFFF  }
0xb4: {  	_ =	strace $0x90000048  }
0xb5: {  	_ =	sfence  }
0xb6: {  	s30 =	sld [smem:$0x0];
	_ =	sdelay $0x2  }
0xb7: {  	s31 =	sshll.u32 s1, $0xD;
	s1 =	sshrl.u32 s1, $0x2  }
0xb8: {  	s3 =	sand.u32 $0x4000, s31;
	s1 =	sadd.s32 s1, s30  }
0xb9: {  	s0 =	sor.u32 s3, s0;
	s1 =	sshll.u32 s1, $0x11  }
0xba: {  	s0 =	sor.u32 s1, s0  }
0xbb: {  	s0 =	sadd.s32 $0x8F2B, s0  }
0xbc: {  	[sflag:s0] =	ssyncadd.remote.s32 $0x1  }
0xbd: {  	_ =	sfence.sel $0xFFFF  }
0xbe: {  	[dreg:$0x0] =	wrdreg $0xFFFFFFFF;
	(pc) =	sbr.abs _section_cstart, $3  }
0xbf: {  	[dreg:$0x1] =	wrdreg $0xFFFFFFFF  }
0xc0: {  	_ =	task.clear_ibuf [dreg:s6], $0x2FFFF;
	_ =	strace $0x9FFFFFFF  }
0xc1: {  	(tm) =	ssettm $0x7FFFFFFF  }
tec
execute0_lowered:
.L_overlay_start_1:
0x0: {  	(tag) =	ssettag $0x1  }
0x1: {  	s0 =	rddreg [dreg:$0x0];
	s1 =	simm.s32 $0x0;
	s2 =	srdreg.scid  }
0x2: {  	s26 =	stileid.u32;
	s28 =	simm.s32 $0x3;
	s29 =	simm.s32 $0x0  }
0x3: {  	[smem:$0x7FF] =	sst s1;
	s3 =	sadd.s32 $0x600, s0;
	s2 =	sand.u32 $0x1, s2  }
0x4: {  	s19 =	sadd.s32 $0x260600, s0;
	s5 =	sshll.u32 s26, $0x1;
	s18 =	sshrl.u32 s26, $0x2  }
0x5: {  	p1 =	sgt.u32 s26, $0xB;
	s26 =	simm.s32 $0x400;
	_ =	strace $0x80000047  }
0x6: {  	s4 =	ssub.s32 $0x2, s2;
	s2 =	sor.u32 s2, s5;
	s5 =	smul.u32 $0x84400, s18  }
0x7: {  	s6 =	sshrl.u32 s4, $0x1;
	s21 =	sshll.u32 s2, $0x7;
	s9 =	sor.u32 $0x20, s2  }
0x8: {  	s22 =	sshll.u32 s2, $0xE;
	s12 =	sor.u32 $0x40, s2;
	s15 =	sor.u32 $0x60, s2  }
0x9: {  	s20 =	ssub.s32 s4, s6;
	s4 =	sshll.u32 s2, $0x11;
	s17 =	sand.u32 $0x380, s21  }
0xa: {  	s8 =	sshrl.u32 s9, $0x3;
	s6 =	sadd.s32 $0xE00, s0;
	s9 =	sshll.u32 s9, $0x11  }
0xb: {  	s13 =	sshrl.u32 s12, $0x3;
	s12 =	sshll.u32 s12, $0x11;
	s2 =	sor.u32 $0x80, s2  }
0xc: {  	s25 =	sshrl.u32 s15, $0x3;
	s15 =	sshll.u32 s15, $0x11;
	s11 =	smul.u32 $0x84400, s8  }
0xd: {  	s7 =	sor.u32 s5, s17;
	s5 =	sadd.s32 s3, s22;
	s24 =	smul.u32 $0x84400, s13  }
0xe: {  	s16 =	smul.u32 $0x84400, s25;
	s14 =	sshrl.u32 s2, $0x3;
	s20 =	smax.u32 s20, $0x1  }
0xf: {  	s22 =	simm.s32 $0x14880;
	p0 =	sgt.u32 s2, $0x97;
	s25 =	simm.s32 $0x80  }
0x10: {  	s10 =	sshrl.u32 s7, $0x3;
	s7 =	sadd.s32 $0x80000, s5;
	s13 =	sadd.s32 $0x180000, s5  }
0x11: {  	s18 =	smul.u32 $0x84400, s14;
	s8 =	sadd.s32 s19, s10;
	s23 =	sor.u32 s17, s11  }
0x12: {  	s10 =	sadd.s32 $0x100000, s5;
	s30 =	sor.u32 s17, s16;
	s16 =	sshll.u32 s2, $0xE  }
.Ltmp0:
0x13: {  	s0 =	sshrl.u32 s23, $0x3;
	s21 =	sor.u32 s17, s18;
	(pc) =	sbr.rel .LBB2_1-.Ltmp0, $4  }
0x14: {  	s18 =	sshll.u32 s2, $0x11;
	s11 =	sadd.s32 s19, s0;
	s0 =	sor.u32 s17, s24  }
0x15: {  	s23 =	simm.s32 $0x1;
	s31 =	sshrl.u32 s21, $0x3;
	s0 =	sshrl.u32 s0, $0x3  }
0x16: {  	s21 =	simm.s32 $0x10880;
	s14 =	sadd.s32 s19, s0;
	s0 =	sshrl.u32 s30, $0x3  }
0x17: {  	v0 =	vimm.s32 $0x0;
	v1 =	vimm.s32 $0x1;
	s24 =	simm.s32 $0x2;
	s17 =	sadd.s32 s19, s0;
	s19 =	sadd.s32 s19, s31  }
.LBB2_48:
0x18: {  	s29 =	sadd.s32 $0x1, s29  }
0x19: {  	p2 =	sne.s32 s29, s20  }
.Ltmp1:
0x1a: {  	_ = 	snop;
	(pc) =	sbr.rel @!p2 .LBB2_49-.Ltmp1, $1  }
0x1b: {  	_ =	sdelay $0x3  }
.LBB2_1:
0x1c: {  	s0 =	simm.s32 $0x40  }
0x1d: {  	[tilespmem:s0+$0xFFFFFFC0] =	vst v0  }
0x1e: {  	[tilespmem:s0+$0x30] =	vst v0  }
0x1f: {  	[tilespmem:s0+$0x20] =	vst v0  }
0x20: {  	[tilespmem:s0+$0x10] =	vst v0  }
0x21: {  	[tilespmem:s0+$0x0] =	vst v0  }
0x22: {  	[tilespmem:s0+$0xFFFFFFF0] =	vst v0  }
0x23: {  	s2 =	simm.s32 $0x0;
	[tilespmem:s0+$0xFFFFFFE0] =	vst v0  }
.LBB2_2:
0x24: {  	s2 =	sadd.s32 $0x8, s2;
	[tilespmem:s0+$0xFFFFFFD0] =	vst v0;
	s0 =	sadd.s32 $0x80, s0  }
0x25: {  	[tilespmem:s0+$0xFFFFFFC0] =	vst v0;
	p2 =	slt.u32 s2, $0x1078  }
0x26: {  	[tilespmem:s0+$0x30] =	vst v0  }
.Ltmp2:
0x27: {  	[tilespmem:s0+$0x20] =	vst v0;
	(pc) =	sbr.rel @p2 .LBB2_2-.Ltmp2, $4  }
0x28: {  	[tilespmem:s0+$0x10] =	vst v0  }
0x29: {  	[tilespmem:s0+$0x0] =	vst v0  }
0x2a: {  	[tilespmem:s0+$0xFFFFFFF0] =	vst v0  }
0x2b: {  	[tilespmem:s0+$0xFFFFFFE0] =	vst v0  }
0x2c: {  	[tilespmem:s0+$0xFFFFFFD0] =	vst v0  }
0x2d: {  	s30 =	simm.s32 $0x0;
	[tilespmem:$0x10800] =	vst v0  }
0x2e: {  	[tilespmem:s21], [sflag:$0x1] =	stream.linear.gather [hbm4b:s5+s30], $0x4000, $0x38;
	[tilespmem:$0x18880] =	vst v63  }
.LBB2_4:
0x2f: {  	s0 =	sshll.u32 s30, $0xF  }
0x30: {  	s0 =	sadd.s32 s4, s0  }
0x31: {  	s31 =	sshrl.u32 s0, $0x3  }
0x32: {  	s0 =	sadd.s32 s31, s6  }
0x33: {  	[tilespmem:s22], [sflag:$0x2] =	stream.linear.gather [hbm4b:s0+s1], $0x4000, $0x38;
	[tilespmem:$0x18880] =	vst v63  }
0x34: {  	_ =	swait.ge [sflag:s23], $0x4000  }
0x35: {  	[sflag:s23] =	ssyncset.done $0x0  }
0x36: {  	s0 =	simm.s32 $0x10900;
	[sflag:s23] =	ssyncadd.s32 $0xFFFFC000  }
0x37: {  	v3 =	vld [tilespmem:s0+$0x30]  }
0x38: {  	v4 =	vld [tilespmem:s0+$0x40]  }
0x39: {  	v2 =	vld [tilespmem:s0+$0xFFFFFF80]  }
0x3a: {  	v5 =	vld [tilespmem:s0+$0x70]  }
0x3b: {  	v6 =	vld [tilespmem:s0+$0xFFFFFFD0]  }
0x3c: {  	v7 =	vld [tilespmem:s0+$0xFFFFFFE0]  }
0x3d: {  	v8 =	vld [tilespmem:s0+$0xFFFFFFF0]  }
0x3e: {  	v9 =	vld [tilespmem:s0+$0x0]  }
0x3f: {  	v10 =	vld [tilespmem:s0+$0x60]  }
0x40: {  	v11 =	vld [tilespmem:s0+$0x50]  }
0x41: {  	v62 =	vld [tilespmem:s0+$0xFFFFFFA0]  }
0x42: {  	v12 =	vld [tilespmem:s0+$0x20]  }
0x43: {  	v13 =	vld [tilespmem:s0+$0x10]  }
0x44: {  	v63 =	vld [tilespmem:s0+$0xFFFFFFB0]  }
0x45: {  	[tilespmem:v2+s1+$0x0] =	vst.idx.add.s32.msk $0xffff, v1  }
0x46: {  	[tilespmem:v5+s1+$0x0] =	vst.idx.add.s32.msk $0xffff, v1  }
0x47: {  	v2 =	vld [tilespmem:s0+$0xFFFFFF90]  }
0x48: {  	[tilespmem:v10+s1+$0x0] =	vst.idx.add.s32.msk $0xffff, v1  }
0x49: {  	[tilespmem:v11+s1+$0x0] =	vst.idx.add.s32.msk $0xffff, v1  }
0x4a: {  	[tilespmem:v4+s1+$0x0] =	vst.idx.add.s32.msk $0xffff, v1  }
0x4b: {  	[tilespmem:v3+s1+$0x0] =	vst.idx.add.s32.msk $0xffff, v1  }
0x4c: {  	v3 =	vld [tilespmem:s0+$0xFFFFFFC0]  }
0x4d: {  	[tilespmem:v12+s1+$0x0] =	vst.idx.add.s32.msk $0xffff, v1  }
0x4e: {  	[tilespmem:v13+s1+$0x0] =	vst.idx.add.s32.msk $0xffff, v1  }
0x4f: {  	[tilespmem:v9+s1+$0x0] =	vst.idx.add.s32.msk $0xffff, v1  }
0x50: {  	[tilespmem:v8+s1+$0x0] =	vst.idx.add.s32.msk $0xffff, v1  }
0x51: {  	[tilespmem:v7+s1+$0x0] =	vst.idx.add.s32.msk $0xffff, v1  }
0x52: {  	[tilespmem:v6+s1+$0x0] =	vst.idx.add.s32.msk $0xffff, v1  }
0x53: {  	[tilespmem:v63+s1+$0x0] =	vst.idx.add.s32.msk $0xffff, v1  }
0x54: {  	[tilespmem:v62+s1+$0x0] =	vst.idx.add.s32.msk $0xffff, v1  }
0x55: {  	s2 =	simm.s32 $0x0;
	[tilespmem:v3+s1+$0x0] =	vst.idx.add.s32.msk $0xffff, v1  }
.LBB2_5:
0x56: {  	s2 =	sadd.s32 $0x10, s2;
	[tilespmem:v2+s1+$0x0] =	vst.idx.add.s32.msk $0xffff, v1;
	s0 =	sadd.s32 $0x100, s0  }
0x57: {  	v3 =	vld [tilespmem:s0+$0x30];
	p2 =	slt.u32 s2, $0x3F0  }
0x58: {  	v4 =	vld [tilespmem:s0+$0x40]  }
0x59: {  	v2 =	vld [tilespmem:s0+$0xFFFFFF80]  }
0x5a: {  	v5 =	vld [tilespmem:s0+$0x70]  }
0x5b: {  	v6 =	vld [tilespmem:s0+$0xFFFFFFD0]  }
0x5c: {  	v7 =	vld [tilespmem:s0+$0xFFFFFFE0]  }
0x5d: {  	v8 =	vld [tilespmem:s0+$0xFFFFFFF0]  }
0x5e: {  	v9 =	vld [tilespmem:s0+$0x0]  }
0x5f: {  	v10 =	vld [tilespmem:s0+$0x60]  }
0x60: {  	v11 =	vld [tilespmem:s0+$0x50]  }
0x61: {  	[tilespmem:v2+s1+$0x0] =	vst.idx.add.s32.msk $0xffff, v1  }
0x62: {  	[tilespmem:v5+s1+$0x0] =	vst.idx.add.s32.msk $0xffff, v1  }
0x63: {  	v2 =	vld [tilespmem:s0+$0xFFFFFF90]  }
0x64: {  	v5 =	vld [tilespmem:s0+$0xFFFFFFA0]  }
0x65: {  	v12 =	vld [tilespmem:s0+$0x20]  }
0x66: {  	v13 =	vld [tilespmem:s0+$0x10]  }
0x67: {  	[tilespmem:v10+s1+$0x0] =	vst.idx.add.s32.msk $0xffff, v1  }
0x68: {  	[tilespmem:v11+s1+$0x0] =	vst.idx.add.s32.msk $0xffff, v1  }
0x69: {  	[tilespmem:v4+s1+$0x0] =	vst.idx.add.s32.msk $0xffff, v1  }
0x6a: {  	[tilespmem:v3+s1+$0x0] =	vst.idx.add.s32.msk $0xffff, v1  }
0x6b: {  	v3 =	vld [tilespmem:s0+$0xFFFFFFC0]  }
0x6c: {  	v4 =	vld [tilespmem:s0+$0xFFFFFFB0]  }
0x6d: {  	[tilespmem:v12+s1+$0x0] =	vst.idx.add.s32.msk $0xffff, v1  }
0x6e: {  	[tilespmem:v13+s1+$0x0] =	vst.idx.add.s32.msk $0xffff, v1  }
0x6f: {  	[tilespmem:v9+s1+$0x0] =	vst.idx.add.s32.msk $0xffff, v1  }
0x70: {  	[tilespmem:v8+s1+$0x0] =	vst.idx.add.s32.msk $0xffff, v1  }
.Ltmp3:
0x71: {  	[tilespmem:v7+s1+$0x0] =	vst.idx.add.s32.msk $0xffff, v1;
	(pc) =	sbr.rel @p2 .LBB2_5-.Ltmp3, $4  }
0x72: {  	[tilespmem:v6+s1+$0x0] =	vst.idx.add.s32.msk $0xffff, v1  }
0x73: {  	[tilespmem:v3+s1+$0x0] =	vst.idx.add.s32.msk $0xffff, v1  }
0x74: {  	[tilespmem:v4+s1+$0x0] =	vst.idx.add.s32.msk $0xffff, v1  }
0x75: {  	[tilespmem:v5+s1+$0x0] =	vst.idx.add.s32.msk $0xffff, v1  }
0x76: {  	_ =	sdelay $0x1  }
0x77: {  	s0 =	sadd.s32 s3, s31  }
0x78: {  	p2 =	seq.s32 s30, $0x3;
	s0 =	sadd.s32 $0x1000, s0  }
0x79: {  	[tilespmem:v2+s1+$0x0] =	vst.idx.add.s32.msk $0xffff, v1;
	s0 =	smov.u32 @p2 s7  }
0x7a: {  	[tilespmem:s21], [sflag:$0x1] =	stream.linear.gather [hbm4b:s0+s1], $0x4000, $0x38;
	[tilespmem:$0x18880] =	vst v63  }
0x7b: {  	_ =	swait.ge [sflag:s24], $0x4000  }
0x7c: {  	[sflag:s24] =	ssyncset.done $0x0  }
0x7d: {  	s0 =	simm.s32 $0x14900;
	[sflag:s24] =	ssyncadd.s32 $0xFFFFC000  }
0x7e: {  	v3 =	vld [tilespmem:s0+$0x30]  }
0x7f: {  	v4 =	vld [tilespmem:s0+$0x40]  }
0x80: {  	v2 =	vld [tilespmem:s0+$0xFFFFFF80]  }
0x81: {  	v5 =	vld [tilespmem:s0+$0x70]  }
0x82: {  	v6 =	vld [tilespmem:s0+$0xFFFFFFD0]  }
0x83: {  	v7 =	vld [tilespmem:s0+$0xFFFFFFE0]  }
0x84: {  	v8 =	vld [tilespmem:s0+$0xFFFFFFF0]  }
0x85: {  	v9 =	vld [tilespmem:s0+$0x0]  }
0x86: {  	v10 =	vld [tilespmem:s0+$0x60]  }
0x87: {  	v11 =	vld [tilespmem:s0+$0x50]  }
0x88: {  	v62 =	vld [tilespmem:s0+$0xFFFFFFA0]  }
0x89: {  	v12 =	vld [tilespmem:s0+$0x20]  }
0x8a: {  	v13 =	vld [tilespmem:s0+$0x10]  }
0x8b: {  	v63 =	vld [tilespmem:s0+$0xFFFFFFB0]  }
0x8c: {  	[tilespmem:v2+s1+$0x0] =	vst.idx.add.s32.msk $0xffff, v1  }
0x8d: {  	[tilespmem:v5+s1+$0x0] =	vst.idx.add.s32.msk $0xffff, v1  }
0x8e: {  	v2 =	vld [tilespmem:s0+$0xFFFFFF90]  }
0x8f: {  	[tilespmem:v10+s1+$0x0] =	vst.idx.add.s32.msk $0xffff, v1  }
0x90: {  	[tilespmem:v11+s1+$0x0] =	vst.idx.add.s32.msk $0xffff, v1  }
0x91: {  	[tilespmem:v4+s1+$0x0] =	vst.idx.add.s32.msk $0xffff, v1  }
0x92: {  	[tilespmem:v3+s1+$0x0] =	vst.idx.add.s32.msk $0xffff, v1  }
0x93: {  	v3 =	vld [tilespmem:s0+$0xFFFFFFC0]  }
0x94: {  	[tilespmem:v12+s1+$0x0] =	vst.idx.add.s32.msk $0xffff, v1  }
0x95: {  	[tilespmem:v13+s1+$0x0] =	vst.idx.add.s32.msk $0xffff, v1  }
0x96: {  	[tilespmem:v9+s1+$0x0] =	vst.idx.add.s32.msk $0xffff, v1  }
0x97: {  	[tilespmem:v8+s1+$0x0] =	vst.idx.add.s32.msk $0xffff, v1  }
0x98: {  	[tilespmem:v7+s1+$0x0] =	vst.idx.add.s32.msk $0xffff, v1  }
0x99: {  	[tilespmem:v6+s1+$0x0] =	vst.idx.add.s32.msk $0xffff, v1  }
0x9a: {  	[tilespmem:v63+s1+$0x0] =	vst.idx.add.s32.msk $0xffff, v1  }
0x9b: {  	[tilespmem:v62+s1+$0x0] =	vst.idx.add.s32.msk $0xffff, v1  }
0x9c: {  	s2 =	simm.s32 $0x0;
	[tilespmem:v3+s1+$0x0] =	vst.idx.add.s32.msk $0xffff, v1  }
.LBB2_7:
0x9d: {  	s2 =	sadd.s32 $0x10, s2;
	[tilespmem:v2+s1+$0x0] =	vst.idx.add.s32.msk $0xffff, v1;
	s0 =	sadd.s32 $0x100, s0  }
0x9e: {  	v3 =	vld [tilespmem:s0+$0x30];
	p2 =	slt.u32 s2, $0x3F0  }
0x9f: {  	v4 =	vld [tilespmem:s0+$0x40]  }
0xa0: {  	v2 =	vld [tilespmem:s0+$0xFFFFFF80]  }
0xa1: {  	v5 =	vld [tilespmem:s0+$0x70]  }
0xa2: {  	v6 =	vld [tilespmem:s0+$0xFFFFFFD0]  }
0xa3: {  	v7 =	vld [tilespmem:s0+$0xFFFFFFE0]  }
0xa4: {  	v8 =	vld [tilespmem:s0+$0xFFFFFFF0]  }
0xa5: {  	v9 =	vld [tilespmem:s0+$0x0]  }
0xa6: {  	v10 =	vld [tilespmem:s0+$0x60]  }
0xa7: {  	v11 =	vld [tilespmem:s0+$0x50]  }
0xa8: {  	[tilespmem:v2+s1+$0x0] =	vst.idx.add.s32.msk $0xffff, v1  }
0xa9: {  	[tilespmem:v5+s1+$0x0] =	vst.idx.add.s32.msk $0xffff, v1  }
0xaa: {  	v2 =	vld [tilespmem:s0+$0xFFFFFF90]  }
0xab: {  	v5 =	vld [tilespmem:s0+$0xFFFFFFA0]  }
0xac: {  	v12 =	vld [tilespmem:s0+$0x20]  }
0xad: {  	v13 =	vld [tilespmem:s0+$0x10]  }
0xae: {  	[tilespmem:v10+s1+$0x0] =	vst.idx.add.s32.msk $0xffff, v1  }
0xaf: {  	[tilespmem:v11+s1+$0x0] =	vst.idx.add.s32.msk $0xffff, v1  }
0xb0: {  	[tilespmem:v4+s1+$0x0] =	vst.idx.add.s32.msk $0xffff, v1  }
0xb1: {  	[tilespmem:v3+s1+$0x0] =	vst.idx.add.s32.msk $0xffff, v1  }
0xb2: {  	v3 =	vld [tilespmem:s0+$0xFFFFFFC0]  }
0xb3: {  	v4 =	vld [tilespmem:s0+$0xFFFFFFB0]  }
0xb4: {  	[tilespmem:v12+s1+$0x0] =	vst.idx.add.s32.msk $0xffff, v1  }
0xb5: {  	[tilespmem:v13+s1+$0x0] =	vst.idx.add.s32.msk $0xffff, v1  }
0xb6: {  	[tilespmem:v9+s1+$0x0] =	vst.idx.add.s32.msk $0xffff, v1  }
0xb7: {  	[tilespmem:v8+s1+$0x0] =	vst.idx.add.s32.msk $0xffff, v1  }
.Ltmp4:
0xb8: {  	[tilespmem:v7+s1+$0x0] =	vst.idx.add.s32.msk $0xffff, v1;
	(pc) =	sbr.rel @p2 .LBB2_7-.Ltmp4, $4  }
0xb9: {  	[tilespmem:v6+s1+$0x0] =	vst.idx.add.s32.msk $0xffff, v1  }
0xba: {  	[tilespmem:v3+s1+$0x0] =	vst.idx.add.s32.msk $0xffff, v1  }
0xbb: {  	[tilespmem:v4+s1+$0x0] =	vst.idx.add.s32.msk $0xffff, v1  }
0xbc: {  	[tilespmem:v5+s1+$0x0] =	vst.idx.add.s32.msk $0xffff, v1  }
0xbd: {  	s30 =	sadd.s32 $0x1, s30  }
0xbe: {  	p2 =	sne.s32 s30, $0x4  }
.Ltmp5:
0xbf: {  	_ = 	snop;
	(pc) =	sbr.rel @p2 .LBB2_4-.Ltmp5, $2  }
0xc0: {  	_ =	sdelay $0x2  }
0xc1: {  	[tilespmem:v2+s1+$0x0] =	vst.idx.add.s32.msk $0xffff, v1  }
0xc2: {  	[hbm4b:s8+s25] =	stream.strided.scatter [tilespmem:s1], [sflag:$0x3], $0x10880, s26, s25, $0x38;
	[tilespmem:$0x18880] =	vst v63  }
0xc3: {  	_ =	swait.ge [sflag:s28], $0x10880  }
0xc4: {  	[sflag:s28] =	ssyncset.done $0x0  }
0xc5: {  	s0 =	simm.s32 $0x40;
	[sflag:s28] =	ssyncadd.s32 $0xFFFEF780  }
0xc6: {  	[tilespmem:s0+$0xFFFFFFC0] =	vst v0  }
0xc7: {  	[tilespmem:s0+$0x30] =	vst v0  }
0xc8: {  	[tilespmem:s0+$0x20] =	vst v0  }
0xc9: {  	[tilespmem:s0+$0x10] =	vst v0  }
0xca: {  	[tilespmem:s0+$0x0] =	vst v0  }
0xcb: {  	[tilespmem:s0+$0xFFFFFFF0] =	vst v0  }
0xcc: {  	s2 =	simm.s32 $0x0;
	[tilespmem:s0+$0xFFFFFFE0] =	vst v0  }
.LBB2_10:
0xcd: {  	s2 =	sadd.s32 $0x8, s2;
	[tilespmem:s0+$0xFFFFFFD0] =	vst v0;
	s0 =	sadd.s32 $0x80, s0  }
0xce: {  	[tilespmem:s0+$0xFFFFFFC0] =	vst v0;
	p2 =	slt.u32 s2, $0x1078  }
0xcf: {  	[tilespmem:s0+$0x30] =	vst v0  }
.Ltmp6:
0xd0: {  	[tilespmem:s0+$0x20] =	vst v0;
	(pc) =	sbr.rel @p2 .LBB2_10-.Ltmp6, $4  }
0xd1: {  	[tilespmem:s0+$0x10] =	vst v0  }
0xd2: {  	[tilespmem:s0+$0x0] =	vst v0  }
0xd3: {  	[tilespmem:s0+$0xFFFFFFF0] =	vst v0  }
0xd4: {  	[tilespmem:s0+$0xFFFFFFE0] =	vst v0  }
0xd5: {  	[tilespmem:s0+$0xFFFFFFD0] =	vst v0  }
0xd6: {  	s30 =	simm.s32 $0x0;
	[tilespmem:$0x10800] =	vst v0  }
.LBB2_12:
0xd7: {  	s0 =	sshll.u32 s30, $0xF  }
0xd8: {  	s0 =	sadd.s32 s9, s0  }
0xd9: {  	s31 =	sshrl.u32 s0, $0x3  }
0xda: {  	s0 =	sadd.s32 s31, s6  }
0xdb: {  	[tilespmem:s22], [sflag:$0x2] =	stream.linear.gather [hbm4b:s0+s1], $0x4000, $0x38;
	[tilespmem:$0x18880] =	vst v63  }
0xdc: {  	_ =	swait.ge [sflag:s23], $0x4000  }
0xdd: {  	[sflag:s23] =	ssyncset.done $0x0  }
0xde: {  	s0 =	simm.s32 $0x10900;
	[sflag:s23] =	ssyncadd.s32 $0xFFFFC000  }
0xdf: {  	v3 =	vld [tilespmem:s0+$0x30]  }
0xe0: {  	v4 =	vld [tilespmem:s0+$0x40]  }
0xe1: {  	v2 =	vld [tilespmem:s0+$0xFFFFFF80]  }
0xe2: {  	v5 =	vld [tilespmem:s0+$0x70]  }
0xe3: {  	v6 =	vld [tilespmem:s0+$0xFFFFFFD0]  }
0xe4: {  	v7 =	vld [tilespmem:s0+$0xFFFFFFE0]  }
0xe5: {  	v8 =	vld [tilespmem:s0+$0xFFFFFFF0]  }
0xe6: {  	v9 =	vld [tilespmem:s0+$0x0]  }
0xe7: {  	v10 =	vld [tilespmem:s0+$0x60]  }
0xe8: {  	v11 =	vld [tilespmem:s0+$0x50]  }
0xe9: {  	v62 =	vld [tilespmem:s0+$0xFFFFFFA0]  }
0xea: {  	v12 =	vld [tilespmem:s0+$0x20]  }
0xeb: {  	v13 =	vld [tilespmem:s0+$0x10]  }
0xec: {  	v63 =	vld [tilespmem:s0+$0xFFFFFFB0]  }
0xed: {  	[tilespmem:v2+s1+$0x0] =	vst.idx.add.s32.msk $0xffff, v1  }
0xee: {  	[tilespmem:v5+s1+$0x0] =	vst.idx.add.s32.msk $0xffff, v1  }
0xef: {  	v2 =	vld [tilespmem:s0+$0xFFFFFF90]  }
0xf0: {  	[tilespmem:v10+s1+$0x0] =	vst.idx.add.s32.msk $0xffff, v1  }
0xf1: {  	[tilespmem:v11+s1+$0x0] =	vst.idx.add.s32.msk $0xffff, v1  }
0xf2: {  	[tilespmem:v4+s1+$0x0] =	vst.idx.add.s32.msk $0xffff, v1  }
0xf3: {  	[tilespmem:v3+s1+$0x0] =	vst.idx.add.s32.msk $0xffff, v1  }
0xf4: {  	v3 =	vld [tilespmem:s0+$0xFFFFFFC0]  }
0xf5: {  	[tilespmem:v12+s1+$0x0] =	vst.idx.add.s32.msk $0xffff, v1  }
0xf6: {  	[tilespmem:v13+s1+$0x0] =	vst.idx.add.s32.msk $0xffff, v1  }
0xf7: {  	[tilespmem:v9+s1+$0x0] =	vst.idx.add.s32.msk $0xffff, v1  }
0xf8: {  	[tilespmem:v8+s1+$0x0] =	vst.idx.add.s32.msk $0xffff, v1  }
0xf9: {  	[tilespmem:v7+s1+$0x0] =	vst.idx.add.s32.msk $0xffff, v1  }
0xfa: {  	[tilespmem:v6+s1+$0x0] =	vst.idx.add.s32.msk $0xffff, v1  }
0xfb: {  	[tilespmem:v63+s1+$0x0] =	vst.idx.add.s32.msk $0xffff, v1  }
0xfc: {  	[tilespmem:v62+s1+$0x0] =	vst.idx.add.s32.msk $0xffff, v1  }
0xfd: {  	s2 =	simm.s32 $0x0;
	[tilespmem:v3+s1+$0x0] =	vst.idx.add.s32.msk $0xffff, v1  }
.LBB2_13:
0xfe: {  	s2 =	sadd.s32 $0x10, s2;
	[tilespmem:v2+s1+$0x0] =	vst.idx.add.s32.msk $0xffff, v1;
	s0 =	sadd.s32 $0x100, s0  }
0xff: {  	v3 =	vld [tilespmem:s0+$0x30];
	p2 =	slt.u32 s2, $0x3F0  }
0x100: {  	v4 =	vld [tilespmem:s0+$0x40]  }
0x101: {  	v2 =	vld [tilespmem:s0+$0xFFFFFF80]  }
0x102: {  	v5 =	vld [tilespmem:s0+$0x70]  }
0x103: {  	v6 =	vld [tilespmem:s0+$0xFFFFFFD0]  }
0x104: {  	v7 =	vld [tilespmem:s0+$0xFFFFFFE0]  }
0x105: {  	v8 =	vld [tilespmem:s0+$0xFFFFFFF0]  }
0x106: {  	v9 =	vld [tilespmem:s0+$0x0]  }
0x107: {  	v10 =	vld [tilespmem:s0+$0x60]  }
0x108: {  	v11 =	vld [tilespmem:s0+$0x50]  }
0x109: {  	[tilespmem:v2+s1+$0x0] =	vst.idx.add.s32.msk $0xffff, v1  }
0x10a: {  	[tilespmem:v5+s1+$0x0] =	vst.idx.add.s32.msk $0xffff, v1  }
0x10b: {  	v2 =	vld [tilespmem:s0+$0xFFFFFF90]  }
0x10c: {  	v5 =	vld [tilespmem:s0+$0xFFFFFFA0]  }
0x10d: {  	v12 =	vld [tilespmem:s0+$0x20]  }
0x10e: {  	v13 =	vld [tilespmem:s0+$0x10]  }
0x10f: {  	[tilespmem:v10+s1+$0x0] =	vst.idx.add.s32.msk $0xffff, v1  }
0x110: {  	[tilespmem:v11+s1+$0x0] =	vst.idx.add.s32.msk $0xffff, v1  }
0x111: {  	[tilespmem:v4+s1+$0x0] =	vst.idx.add.s32.msk $0xffff, v1  }
0x112: {  	[tilespmem:v3+s1+$0x0] =	vst.idx.add.s32.msk $0xffff, v1  }
0x113: {  	v3 =	vld [tilespmem:s0+$0xFFFFFFC0]  }
0x114: {  	v4 =	vld [tilespmem:s0+$0xFFFFFFB0]  }
0x115: {  	[tilespmem:v12+s1+$0x0] =	vst.idx.add.s32.msk $0xffff, v1  }
0x116: {  	[tilespmem:v13+s1+$0x0] =	vst.idx.add.s32.msk $0xffff, v1  }
0x117: {  	[tilespmem:v9+s1+$0x0] =	vst.idx.add.s32.msk $0xffff, v1  }
0x118: {  	[tilespmem:v8+s1+$0x0] =	vst.idx.add.s32.msk $0xffff, v1  }
.Ltmp7:
0x119: {  	[tilespmem:v7+s1+$0x0] =	vst.idx.add.s32.msk $0xffff, v1;
	(pc) =	sbr.rel @p2 .LBB2_13-.Ltmp7, $4  }
0x11a: {  	[tilespmem:v6+s1+$0x0] =	vst.idx.add.s32.msk $0xffff, v1  }
0x11b: {  	[tilespmem:v3+s1+$0x0] =	vst.idx.add.s32.msk $0xffff, v1  }
0x11c: {  	[tilespmem:v4+s1+$0x0] =	vst.idx.add.s32.msk $0xffff, v1  }
0x11d: {  	[tilespmem:v5+s1+$0x0] =	vst.idx.add.s32.msk $0xffff, v1  }
0x11e: {  	_ =	sdelay $0x1  }
0x11f: {  	s0 =	sadd.s32 s3, s31  }
0x120: {  	p2 =	seq.s32 s30, $0x3;
	s0 =	sadd.s32 $0x1000, s0  }
0x121: {  	[tilespmem:v2+s1+$0x0] =	vst.idx.add.s32.msk $0xffff, v1;
	s0 =	smov.u32 @p2 s10  }
0x122: {  	[tilespmem:s21], [sflag:$0x1] =	stream.linear.gather [hbm4b:s0+s1], $0x4000, $0x38;
	[tilespmem:$0x18880] =	vst v63  }
0x123: {  	_ =	swait.ge [sflag:s24], $0x4000  }
0x124: {  	[sflag:s24] =	ssyncset.done $0x0  }
0x125: {  	s0 =	simm.s32 $0x14900;
	[sflag:s24] =	ssyncadd.s32 $0xFFFFC000  }
0x126: {  	v3 =	vld [tilespmem:s0+$0x30]  }
0x127: {  	v4 =	vld [tilespmem:s0+$0x40]  }
0x128: {  	v2 =	vld [tilespmem:s0+$0xFFFFFF80]  }
0x129: {  	v5 =	vld [tilespmem:s0+$0x70]  }
0x12a: {  	v6 =	vld [tilespmem:s0+$0xFFFFFFD0]  }
0x12b: {  	v7 =	vld [tilespmem:s0+$0xFFFFFFE0]  }
0x12c: {  	v8 =	vld [tilespmem:s0+$0xFFFFFFF0]  }
0x12d: {  	v9 =	vld [tilespmem:s0+$0x0]  }
0x12e: {  	v10 =	vld [tilespmem:s0+$0x60]  }
0x12f: {  	v11 =	vld [tilespmem:s0+$0x50]  }
0x130: {  	v62 =	vld [tilespmem:s0+$0xFFFFFFA0]  }
0x131: {  	v12 =	vld [tilespmem:s0+$0x20]  }
0x132: {  	v13 =	vld [tilespmem:s0+$0x10]  }
0x133: {  	v63 =	vld [tilespmem:s0+$0xFFFFFFB0]  }
0x134: {  	[tilespmem:v2+s1+$0x0] =	vst.idx.add.s32.msk $0xffff, v1  }
0x135: {  	[tilespmem:v5+s1+$0x0] =	vst.idx.add.s32.msk $0xffff, v1  }
0x136: {  	v2 =	vld [tilespmem:s0+$0xFFFFFF90]  }
0x137: {  	[tilespmem:v10+s1+$0x0] =	vst.idx.add.s32.msk $0xffff, v1  }
0x138: {  	[tilespmem:v11+s1+$0x0] =	vst.idx.add.s32.msk $0xffff, v1  }
0x139: {  	[tilespmem:v4+s1+$0x0] =	vst.idx.add.s32.msk $0xffff, v1  }
0x13a: {  	[tilespmem:v3+s1+$0x0] =	vst.idx.add.s32.msk $0xffff, v1  }
0x13b: {  	v3 =	vld [tilespmem:s0+$0xFFFFFFC0]  }
0x13c: {  	[tilespmem:v12+s1+$0x0] =	vst.idx.add.s32.msk $0xffff, v1  }
0x13d: {  	[tilespmem:v13+s1+$0x0] =	vst.idx.add.s32.msk $0xffff, v1  }
0x13e: {  	[tilespmem:v9+s1+$0x0] =	vst.idx.add.s32.msk $0xffff, v1  }
0x13f: {  	[tilespmem:v8+s1+$0x0] =	vst.idx.add.s32.msk $0xffff, v1  }
0x140: {  	[tilespmem:v7+s1+$0x0] =	vst.idx.add.s32.msk $0xffff, v1  }
0x141: {  	[tilespmem:v6+s1+$0x0] =	vst.idx.add.s32.msk $0xffff, v1  }
0x142: {  	[tilespmem:v63+s1+$0x0] =	vst.idx.add.s32.msk $0xffff, v1  }
0x143: {  	[tilespmem:v62+s1+$0x0] =	vst.idx.add.s32.msk $0xffff, v1  }
0x144: {  	s2 =	simm.s32 $0x0;
	[tilespmem:v3+s1+$0x0] =	vst.idx.add.s32.msk $0xffff, v1  }
.LBB2_15:
0x145: {  	s2 =	sadd.s32 $0x10, s2;
	[tilespmem:v2+s1+$0x0] =	vst.idx.add.s32.msk $0xffff, v1;
	s0 =	sadd.s32 $0x100, s0  }
0x146: {  	v3 =	vld [tilespmem:s0+$0x30];
	p2 =	slt.u32 s2, $0x3F0  }
0x147: {  	v4 =	vld [tilespmem:s0+$0x40]  }
0x148: {  	v2 =	vld [tilespmem:s0+$0xFFFFFF80]  }
0x149: {  	v5 =	vld [tilespmem:s0+$0x70]  }
0x14a: {  	v6 =	vld [tilespmem:s0+$0xFFFFFFD0]  }
0x14b: {  	v7 =	vld [tilespmem:s0+$0xFFFFFFE0]  }
0x14c: {  	v8 =	vld [tilespmem:s0+$0xFFFFFFF0]  }
0x14d: {  	v9 =	vld [tilespmem:s0+$0x0]  }
0x14e: {  	v10 =	vld [tilespmem:s0+$0x60]  }
0x14f: {  	v11 =	vld [tilespmem:s0+$0x50]  }
0x150: {  	[tilespmem:v2+s1+$0x0] =	vst.idx.add.s32.msk $0xffff, v1  }
0x151: {  	[tilespmem:v5+s1+$0x0] =	vst.idx.add.s32.msk $0xffff, v1  }
0x152: {  	v2 =	vld [tilespmem:s0+$0xFFFFFF90]  }
0x153: {  	v5 =	vld [tilespmem:s0+$0xFFFFFFA0]  }
0x154: {  	v12 =	vld [tilespmem:s0+$0x20]  }
0x155: {  	v13 =	vld [tilespmem:s0+$0x10]  }
0x156: {  	[tilespmem:v10+s1+$0x0] =	vst.idx.add.s32.msk $0xffff, v1  }
0x157: {  	[tilespmem:v11+s1+$0x0] =	vst.idx.add.s32.msk $0xffff, v1  }
0x158: {  	[tilespmem:v4+s1+$0x0] =	vst.idx.add.s32.msk $0xffff, v1  }
0x159: {  	[tilespmem:v3+s1+$0x0] =	vst.idx.add.s32.msk $0xffff, v1  }
0x15a: {  	v3 =	vld [tilespmem:s0+$0xFFFFFFC0]  }
0x15b: {  	v4 =	vld [tilespmem:s0+$0xFFFFFFB0]  }
0x15c: {  	[tilespmem:v12+s1+$0x0] =	vst.idx.add.s32.msk $0xffff, v1  }
0x15d: {  	[tilespmem:v13+s1+$0x0] =	vst.idx.add.s32.msk $0xffff, v1  }
0x15e: {  	[tilespmem:v9+s1+$0x0] =	vst.idx.add.s32.msk $0xffff, v1  }
0x15f: {  	[tilespmem:v8+s1+$0x0] =	vst.idx.add.s32.msk $0xffff, v1  }
.Ltmp8:
0x160: {  	[tilespmem:v7+s1+$0x0] =	vst.idx.add.s32.msk $0xffff, v1;
	(pc) =	sbr.rel @p2 .LBB2_15-.Ltmp8, $4  }
0x161: {  	[tilespmem:v6+s1+$0x0] =	vst.idx.add.s32.msk $0xffff, v1  }
0x162: {  	[tilespmem:v3+s1+$0x0] =	vst.idx.add.s32.msk $0xffff, v1  }
0x163: {  	[tilespmem:v4+s1+$0x0] =	vst.idx.add.s32.msk $0xffff, v1  }
0x164: {  	[tilespmem:v5+s1+$0x0] =	vst.idx.add.s32.msk $0xffff, v1  }
0x165: {  	s30 =	sadd.s32 $0x1, s30  }
0x166: {  	p2 =	sne.s32 s30, $0x4  }
.Ltmp9:
0x167: {  	_ = 	snop;
	(pc) =	sbr.rel @p2 .LBB2_12-.Ltmp9, $2  }
0x168: {  	_ =	sdelay $0x2  }
0x169: {  	[tilespmem:v2+s1+$0x0] =	vst.idx.add.s32.msk $0xffff, v1  }
0x16a: {  	[hbm4b:s11+s25] =	stream.strided.scatter [tilespmem:s1], [sflag:$0x3], $0x10880, s26, s25, $0x38;
	[tilespmem:$0x18880] =	vst v63  }
0x16b: {  	_ =	swait.ge [sflag:s28], $0x10880  }
0x16c: {  	[sflag:s28] =	ssyncset.done $0x0  }
0x16d: {  	s0 =	simm.s32 $0x40;
	[sflag:s28] =	ssyncadd.s32 $0xFFFEF780  }
0x16e: {  	[tilespmem:s0+$0xFFFFFFC0] =	vst v0  }
0x16f: {  	[tilespmem:s0+$0x30] =	vst v0  }
0x170: {  	[tilespmem:s0+$0x20] =	vst v0  }
0x171: {  	[tilespmem:s0+$0x10] =	vst v0  }
0x172: {  	[tilespmem:s0+$0x0] =	vst v0  }
0x173: {  	[tilespmem:s0+$0xFFFFFFF0] =	vst v0  }
0x174: {  	s2 =	simm.s32 $0x0;
	[tilespmem:s0+$0xFFFFFFE0] =	vst v0  }
.LBB2_18:
0x175: {  	s2 =	sadd.s32 $0x8, s2;
	[tilespmem:s0+$0xFFFFFFD0] =	vst v0;
	s0 =	sadd.s32 $0x80, s0  }
0x176: {  	[tilespmem:s0+$0xFFFFFFC0] =	vst v0;
	p2 =	slt.u32 s2, $0x1078  }
0x177: {  	[tilespmem:s0+$0x30] =	vst v0  }
.Ltmp10:
0x178: {  	[tilespmem:s0+$0x20] =	vst v0;
	(pc) =	sbr.rel @p2 .LBB2_18-.Ltmp10, $4  }
0x179: {  	[tilespmem:s0+$0x10] =	vst v0  }
0x17a: {  	[tilespmem:s0+$0x0] =	vst v0  }
0x17b: {  	[tilespmem:s0+$0xFFFFFFF0] =	vst v0  }
0x17c: {  	[tilespmem:s0+$0xFFFFFFE0] =	vst v0  }
0x17d: {  	[tilespmem:s0+$0xFFFFFFD0] =	vst v0  }
0x17e: {  	s30 =	simm.s32 $0x0;
	[tilespmem:$0x10800] =	vst v0  }
.LBB2_20:
0x17f: {  	s0 =	sshll.u32 s30, $0xF  }
0x180: {  	s0 =	sadd.s32 s12, s0  }
0x181: {  	s31 =	sshrl.u32 s0, $0x3  }
0x182: {  	s0 =	sadd.s32 s31, s6  }
0x183: {  	[tilespmem:s22], [sflag:$0x2] =	stream.linear.gather [hbm4b:s0+s1], $0x4000, $0x38;
	[tilespmem:$0x18880] =	vst v63  }
0x184: {  	_ =	swait.ge [sflag:s23], $0x4000  }
0x185: {  	[sflag:s23] =	ssyncset.done $0x0  }
0x186: {  	s0 =	simm.s32 $0x10900;
	[sflag:s23] =	ssyncadd.s32 $0xFFFFC000  }
0x187: {  	v3 =	vld [tilespmem:s0+$0x30]  }
0x188: {  	v4 =	vld [tilespmem:s0+$0x40]  }
0x189: {  	v2 =	vld [tilespmem:s0+$0xFFFFFF80]  }
0x18a: {  	v5 =	vld [tilespmem:s0+$0x70]  }
0x18b: {  	v6 =	vld [tilespmem:s0+$0xFFFFFFD0]  }
0x18c: {  	v7 =	vld [tilespmem:s0+$0xFFFFFFE0]  }
0x18d: {  	v8 =	vld [tilespmem:s0+$0xFFFFFFF0]  }
0x18e: {  	v9 =	vld [tilespmem:s0+$0x0]  }
0x18f: {  	v10 =	vld [tilespmem:s0+$0x60]  }
0x190: {  	v11 =	vld [tilespmem:s0+$0x50]  }
0x191: {  	v62 =	vld [tilespmem:s0+$0xFFFFFFA0]  }
0x192: {  	v12 =	vld [tilespmem:s0+$0x20]  }
0x193: {  	v13 =	vld [tilespmem:s0+$0x10]  }
0x194: {  	v63 =	vld [tilespmem:s0+$0xFFFFFFB0]  }
0x195: {  	[tilespmem:v2+s1+$0x0] =	vst.idx.add.s32.msk $0xffff, v1  }
0x196: {  	[tilespmem:v5+s1+$0x0] =	vst.idx.add.s32.msk $0xffff, v1  }
0x197: {  	v2 =	vld [tilespmem:s0+$0xFFFFFF90]  }
0x198: {  	[tilespmem:v10+s1+$0x0] =	vst.idx.add.s32.msk $0xffff, v1  }
0x199: {  	[tilespmem:v11+s1+$0x0] =	vst.idx.add.s32.msk $0xffff, v1  }
0x19a: {  	[tilespmem:v4+s1+$0x0] =	vst.idx.add.s32.msk $0xffff, v1  }
0x19b: {  	[tilespmem:v3+s1+$0x0] =	vst.idx.add.s32.msk $0xffff, v1  }
0x19c: {  	v3 =	vld [tilespmem:s0+$0xFFFFFFC0]  }
0x19d: {  	[tilespmem:v12+s1+$0x0] =	vst.idx.add.s32.msk $0xffff, v1  }
0x19e: {  	[tilespmem:v13+s1+$0x0] =	vst.idx.add.s32.msk $0xffff, v1  }
0x19f: {  	[tilespmem:v9+s1+$0x0] =	vst.idx.add.s32.msk $0xffff, v1  }
0x1a0: {  	[tilespmem:v8+s1+$0x0] =	vst.idx.add.s32.msk $0xffff, v1  }
0x1a1: {  	[tilespmem:v7+s1+$0x0] =	vst.idx.add.s32.msk $0xffff, v1  }
0x1a2: {  	[tilespmem:v6+s1+$0x0] =	vst.idx.add.s32.msk $0xffff, v1  }
0x1a3: {  	[tilespmem:v63+s1+$0x0] =	vst.idx.add.s32.msk $0xffff, v1  }
0x1a4: {  	[tilespmem:v62+s1+$0x0] =	vst.idx.add.s32.msk $0xffff, v1  }
0x1a5: {  	s2 =	simm.s32 $0x0;
	[tilespmem:v3+s1+$0x0] =	vst.idx.add.s32.msk $0xffff, v1  }
.LBB2_21:
0x1a6: {  	s2 =	sadd.s32 $0x10, s2;
	[tilespmem:v2+s1+$0x0] =	vst.idx.add.s32.msk $0xffff, v1;
	s0 =	sadd.s32 $0x100, s0  }
0x1a7: {  	v3 =	vld [tilespmem:s0+$0x30];
	p2 =	slt.u32 s2, $0x3F0  }
0x1a8: {  	v4 =	vld [tilespmem:s0+$0x40]  }
0x1a9: {  	v2 =	vld [tilespmem:s0+$0xFFFFFF80]  }
0x1aa: {  	v5 =	vld [tilespmem:s0+$0x70]  }
0x1ab: {  	v6 =	vld [tilespmem:s0+$0xFFFFFFD0]  }
0x1ac: {  	v7 =	vld [tilespmem:s0+$0xFFFFFFE0]  }
0x1ad: {  	v8 =	vld [tilespmem:s0+$0xFFFFFFF0]  }
0x1ae: {  	v9 =	vld [tilespmem:s0+$0x0]  }
0x1af: {  	v10 =	vld [tilespmem:s0+$0x60]  }
0x1b0: {  	v11 =	vld [tilespmem:s0+$0x50]  }
0x1b1: {  	[tilespmem:v2+s1+$0x0] =	vst.idx.add.s32.msk $0xffff, v1  }
0x1b2: {  	[tilespmem:v5+s1+$0x0] =	vst.idx.add.s32.msk $0xffff, v1  }
0x1b3: {  	v2 =	vld [tilespmem:s0+$0xFFFFFF90]  }
0x1b4: {  	v5 =	vld [tilespmem:s0+$0xFFFFFFA0]  }
0x1b5: {  	v12 =	vld [tilespmem:s0+$0x20]  }
0x1b6: {  	v13 =	vld [tilespmem:s0+$0x10]  }
0x1b7: {  	[tilespmem:v10+s1+$0x0] =	vst.idx.add.s32.msk $0xffff, v1  }
0x1b8: {  	[tilespmem:v11+s1+$0x0] =	vst.idx.add.s32.msk $0xffff, v1  }
0x1b9: {  	[tilespmem:v4+s1+$0x0] =	vst.idx.add.s32.msk $0xffff, v1  }
0x1ba: {  	[tilespmem:v3+s1+$0x0] =	vst.idx.add.s32.msk $0xffff, v1  }
0x1bb: {  	v3 =	vld [tilespmem:s0+$0xFFFFFFC0]  }
0x1bc: {  	v4 =	vld [tilespmem:s0+$0xFFFFFFB0]  }
0x1bd: {  	[tilespmem:v12+s1+$0x0] =	vst.idx.add.s32.msk $0xffff, v1  }
0x1be: {  	[tilespmem:v13+s1+$0x0] =	vst.idx.add.s32.msk $0xffff, v1  }
0x1bf: {  	[tilespmem:v9+s1+$0x0] =	vst.idx.add.s32.msk $0xffff, v1  }
0x1c0: {  	[tilespmem:v8+s1+$0x0] =	vst.idx.add.s32.msk $0xffff, v1  }
.Ltmp11:
0x1c1: {  	[tilespmem:v7+s1+$0x0] =	vst.idx.add.s32.msk $0xffff, v1;
	(pc) =	sbr.rel @p2 .LBB2_21-.Ltmp11, $4  }
0x1c2: {  	[tilespmem:v6+s1+$0x0] =	vst.idx.add.s32.msk $0xffff, v1  }
0x1c3: {  	[tilespmem:v3+s1+$0x0] =	vst.idx.add.s32.msk $0xffff, v1  }
0x1c4: {  	[tilespmem:v4+s1+$0x0] =	vst.idx.add.s32.msk $0xffff, v1  }
0x1c5: {  	[tilespmem:v5+s1+$0x0] =	vst.idx.add.s32.msk $0xffff, v1  }
0x1c6: {  	_ =	sdelay $0x1  }
0x1c7: {  	s0 =	sadd.s32 s3, s31  }
0x1c8: {  	p2 =	seq.s32 s30, $0x3;
	s0 =	sadd.s32 $0x1000, s0  }
0x1c9: {  	[tilespmem:v2+s1+$0x0] =	vst.idx.add.s32.msk $0xffff, v1;
	s0 =	smov.u32 @p2 s13  }
0x1ca: {  	[tilespmem:s21], [sflag:$0x1] =	stream.linear.gather [hbm4b:s0+s1], $0x4000, $0x38;
	[tilespmem:$0x18880] =	vst v63  }
0x1cb: {  	_ =	swait.ge [sflag:s24], $0x4000  }
0x1cc: {  	[sflag:s24] =	ssyncset.done $0x0  }
0x1cd: {  	s0 =	simm.s32 $0x14900;
	[sflag:s24] =	ssyncadd.s32 $0xFFFFC000  }
0x1ce: {  	v3 =	vld [tilespmem:s0+$0x30]  }
0x1cf: {  	v4 =	vld [tilespmem:s0+$0x40]  }
0x1d0: {  	v2 =	vld [tilespmem:s0+$0xFFFFFF80]  }
0x1d1: {  	v5 =	vld [tilespmem:s0+$0x70]  }
0x1d2: {  	v6 =	vld [tilespmem:s0+$0xFFFFFFD0]  }
0x1d3: {  	v7 =	vld [tilespmem:s0+$0xFFFFFFE0]  }
0x1d4: {  	v8 =	vld [tilespmem:s0+$0xFFFFFFF0]  }
0x1d5: {  	v9 =	vld [tilespmem:s0+$0x0]  }
0x1d6: {  	v10 =	vld [tilespmem:s0+$0x60]  }
0x1d7: {  	v11 =	vld [tilespmem:s0+$0x50]  }
0x1d8: {  	v62 =	vld [tilespmem:s0+$0xFFFFFFA0]  }
0x1d9: {  	v12 =	vld [tilespmem:s0+$0x20]  }
0x1da: {  	v13 =	vld [tilespmem:s0+$0x10]  }
0x1db: {  	v63 =	vld [tilespmem:s0+$0xFFFFFFB0]  }
0x1dc: {  	[tilespmem:v2+s1+$0x0] =	vst.idx.add.s32.msk $0xffff, v1  }
0x1dd: {  	[tilespmem:v5+s1+$0x0] =	vst.idx.add.s32.msk $0xffff, v1  }
0x1de: {  	v2 =	vld [tilespmem:s0+$0xFFFFFF90]  }
0x1df: {  	[tilespmem:v10+s1+$0x0] =	vst.idx.add.s32.msk $0xffff, v1  }
0x1e0: {  	[tilespmem:v11+s1+$0x0] =	vst.idx.add.s32.msk $0xffff, v1  }
0x1e1: {  	[tilespmem:v4+s1+$0x0] =	vst.idx.add.s32.msk $0xffff, v1  }
0x1e2: {  	[tilespmem:v3+s1+$0x0] =	vst.idx.add.s32.msk $0xffff, v1  }
0x1e3: {  	v3 =	vld [tilespmem:s0+$0xFFFFFFC0]  }
0x1e4: {  	[tilespmem:v12+s1+$0x0] =	vst.idx.add.s32.msk $0xffff, v1  }
0x1e5: {  	[tilespmem:v13+s1+$0x0] =	vst.idx.add.s32.msk $0xffff, v1  }
0x1e6: {  	[tilespmem:v9+s1+$0x0] =	vst.idx.add.s32.msk $0xffff, v1  }
0x1e7: {  	[tilespmem:v8+s1+$0x0] =	vst.idx.add.s32.msk $0xffff, v1  }
0x1e8: {  	[tilespmem:v7+s1+$0x0] =	vst.idx.add.s32.msk $0xffff, v1  }
0x1e9: {  	[tilespmem:v6+s1+$0x0] =	vst.idx.add.s32.msk $0xffff, v1  }
0x1ea: {  	[tilespmem:v63+s1+$0x0] =	vst.idx.add.s32.msk $0xffff, v1  }
0x1eb: {  	[tilespmem:v62+s1+$0x0] =	vst.idx.add.s32.msk $0xffff, v1  }
0x1ec: {  	s2 =	simm.s32 $0x0;
	[tilespmem:v3+s1+$0x0] =	vst.idx.add.s32.msk $0xffff, v1  }
.LBB2_23:
0x1ed: {  	s2 =	sadd.s32 $0x10, s2;
	[tilespmem:v2+s1+$0x0] =	vst.idx.add.s32.msk $0xffff, v1;
	s0 =	sadd.s32 $0x100, s0  }
0x1ee: {  	v3 =	vld [tilespmem:s0+$0x30];
	p2 =	slt.u32 s2, $0x3F0  }
0x1ef: {  	v4 =	vld [tilespmem:s0+$0x40]  }
0x1f0: {  	v2 =	vld [tilespmem:s0+$0xFFFFFF80]  }
0x1f1: {  	v5 =	vld [tilespmem:s0+$0x70]  }
0x1f2: {  	v6 =	vld [tilespmem:s0+$0xFFFFFFD0]  }
0x1f3: {  	v7 =	vld [tilespmem:s0+$0xFFFFFFE0]  }
0x1f4: {  	v8 =	vld [tilespmem:s0+$0xFFFFFFF0]  }
0x1f5: {  	v9 =	vld [tilespmem:s0+$0x0]  }
0x1f6: {  	v10 =	vld [tilespmem:s0+$0x60]  }
0x1f7: {  	v11 =	vld [tilespmem:s0+$0x50]  }
0x1f8: {  	[tilespmem:v2+s1+$0x0] =	vst.idx.add.s32.msk $0xffff, v1  }
0x1f9: {  	[tilespmem:v5+s1+$0x0] =	vst.idx.add.s32.msk $0xffff, v1  }
0x1fa: {  	v2 =	vld [tilespmem:s0+$0xFFFFFF90]  }
0x1fb: {  	v5 =	vld [tilespmem:s0+$0xFFFFFFA0]  }
0x1fc: {  	v12 =	vld [tilespmem:s0+$0x20]  }
0x1fd: {  	v13 =	vld [tilespmem:s0+$0x10]  }
0x1fe: {  	[tilespmem:v10+s1+$0x0] =	vst.idx.add.s32.msk $0xffff, v1  }
0x1ff: {  	[tilespmem:v11+s1+$0x0] =	vst.idx.add.s32.msk $0xffff, v1  }
0x200: {  	[tilespmem:v4+s1+$0x0] =	vst.idx.add.s32.msk $0xffff, v1  }
0x201: {  	[tilespmem:v3+s1+$0x0] =	vst.idx.add.s32.msk $0xffff, v1  }
0x202: {  	v3 =	vld [tilespmem:s0+$0xFFFFFFC0]  }
0x203: {  	v4 =	vld [tilespmem:s0+$0xFFFFFFB0]  }
0x204: {  	[tilespmem:v12+s1+$0x0] =	vst.idx.add.s32.msk $0xffff, v1  }
0x205: {  	[tilespmem:v13+s1+$0x0] =	vst.idx.add.s32.msk $0xffff, v1  }
0x206: {  	[tilespmem:v9+s1+$0x0] =	vst.idx.add.s32.msk $0xffff, v1  }
0x207: {  	[tilespmem:v8+s1+$0x0] =	vst.idx.add.s32.msk $0xffff, v1  }
.Ltmp12:
0x208: {  	[tilespmem:v7+s1+$0x0] =	vst.idx.add.s32.msk $0xffff, v1;
	(pc) =	sbr.rel @p2 .LBB2_23-.Ltmp12, $4  }
0x209: {  	[tilespmem:v6+s1+$0x0] =	vst.idx.add.s32.msk $0xffff, v1  }
0x20a: {  	[tilespmem:v3+s1+$0x0] =	vst.idx.add.s32.msk $0xffff, v1  }
0x20b: {  	[tilespmem:v4+s1+$0x0] =	vst.idx.add.s32.msk $0xffff, v1  }
0x20c: {  	[tilespmem:v5+s1+$0x0] =	vst.idx.add.s32.msk $0xffff, v1  }
0x20d: {  	s30 =	sadd.s32 $0x1, s30  }
0x20e: {  	p2 =	sne.s32 s30, $0x4  }
.Ltmp13:
0x20f: {  	_ = 	snop;
	(pc) =	sbr.rel @p2 .LBB2_20-.Ltmp13, $2  }
0x210: {  	_ =	sdelay $0x2  }
0x211: {  	[tilespmem:v2+s1+$0x0] =	vst.idx.add.s32.msk $0xffff, v1  }
0x212: {  	[hbm4b:s14+s25] =	stream.strided.scatter [tilespmem:s1], [sflag:$0x3], $0x10880, s26, s25, $0x38;
	[tilespmem:$0x18880] =	vst v63  }
0x213: {  	_ =	swait.ge [sflag:s28], $0x10880  }
0x214: {  	[sflag:s28] =	ssyncset.done $0x0  }
0x215: {  	s0 =	simm.s32 $0x40;
	[sflag:s28] =	ssyncadd.s32 $0xFFFEF780  }
0x216: {  	[tilespmem:s0+$0xFFFFFFC0] =	vst v0  }
0x217: {  	[tilespmem:s0+$0x30] =	vst v0  }
0x218: {  	[tilespmem:s0+$0x20] =	vst v0  }
0x219: {  	[tilespmem:s0+$0x10] =	vst v0  }
0x21a: {  	[tilespmem:s0+$0x0] =	vst v0  }
0x21b: {  	[tilespmem:s0+$0xFFFFFFF0] =	vst v0  }
0x21c: {  	s2 =	simm.s32 $0x0;
	[tilespmem:s0+$0xFFFFFFE0] =	vst v0  }
.LBB2_26:
0x21d: {  	s2 =	sadd.s32 $0x8, s2;
	[tilespmem:s0+$0xFFFFFFD0] =	vst v0;
	s0 =	sadd.s32 $0x80, s0  }
0x21e: {  	[tilespmem:s0+$0xFFFFFFC0] =	vst v0;
	p2 =	slt.u32 s2, $0x1078  }
0x21f: {  	[tilespmem:s0+$0x30] =	vst v0  }
.Ltmp14:
0x220: {  	[tilespmem:s0+$0x20] =	vst v0;
	(pc) =	sbr.rel @p2 .LBB2_26-.Ltmp14, $4  }
0x221: {  	[tilespmem:s0+$0x10] =	vst v0  }
0x222: {  	[tilespmem:s0+$0x0] =	vst v0  }
0x223: {  	[tilespmem:s0+$0xFFFFFFF0] =	vst v0  }
0x224: {  	[tilespmem:s0+$0xFFFFFFE0] =	vst v0  }
0x225: {  	[tilespmem:s0+$0xFFFFFFD0] =	vst v0  }
0x226: {  	s30 =	simm.s32 $0x0;
	[tilespmem:$0x10800] =	vst v0  }
.LBB2_28:
0x227: {  	s0 =	sshll.u32 s30, $0xF  }
0x228: {  	s0 =	sadd.s32 s15, s0  }
0x229: {  	s31 =	sshrl.u32 s0, $0x3  }
0x22a: {  	s0 =	sadd.s32 s31, s6  }
0x22b: {  	[tilespmem:s22], [sflag:$0x2] =	stream.linear.gather [hbm4b:s0+s1], $0x4000, $0x38;
	[tilespmem:$0x18880] =	vst v63  }
0x22c: {  	_ =	swait.ge [sflag:s23], $0x4000  }
0x22d: {  	[sflag:s23] =	ssyncset.done $0x0  }
0x22e: {  	s0 =	simm.s32 $0x10900;
	[sflag:s23] =	ssyncadd.s32 $0xFFFFC000  }
0x22f: {  	v3 =	vld [tilespmem:s0+$0x30]  }
0x230: {  	v4 =	vld [tilespmem:s0+$0x40]  }
0x231: {  	v2 =	vld [tilespmem:s0+$0xFFFFFF80]  }
0x232: {  	v5 =	vld [tilespmem:s0+$0x70]  }
0x233: {  	v6 =	vld [tilespmem:s0+$0xFFFFFFD0]  }
0x234: {  	v7 =	vld [tilespmem:s0+$0xFFFFFFE0]  }
0x235: {  	v8 =	vld [tilespmem:s0+$0xFFFFFFF0]  }
0x236: {  	v9 =	vld [tilespmem:s0+$0x0]  }
0x237: {  	v10 =	vld [tilespmem:s0+$0x60]  }
0x238: {  	v11 =	vld [tilespmem:s0+$0x50]  }
0x239: {  	v62 =	vld [tilespmem:s0+$0xFFFFFFA0]  }
0x23a: {  	v12 =	vld [tilespmem:s0+$0x20]  }
0x23b: {  	v13 =	vld [tilespmem:s0+$0x10]  }
0x23c: {  	v63 =	vld [tilespmem:s0+$0xFFFFFFB0]  }
0x23d: {  	[tilespmem:v2+s1+$0x0] =	vst.idx.add.s32.msk $0xffff, v1  }
0x23e: {  	[tilespmem:v5+s1+$0x0] =	vst.idx.add.s32.msk $0xffff, v1  }
0x23f: {  	v2 =	vld [tilespmem:s0+$0xFFFFFF90]  }
0x240: {  	[tilespmem:v10+s1+$0x0] =	vst.idx.add.s32.msk $0xffff, v1  }
0x241: {  	[tilespmem:v11+s1+$0x0] =	vst.idx.add.s32.msk $0xffff, v1  }
0x242: {  	[tilespmem:v4+s1+$0x0] =	vst.idx.add.s32.msk $0xffff, v1  }
0x243: {  	[tilespmem:v3+s1+$0x0] =	vst.idx.add.s32.msk $0xffff, v1  }
0x244: {  	v3 =	vld [tilespmem:s0+$0xFFFFFFC0]  }
0x245: {  	[tilespmem:v12+s1+$0x0] =	vst.idx.add.s32.msk $0xffff, v1  }
0x246: {  	[tilespmem:v13+s1+$0x0] =	vst.idx.add.s32.msk $0xffff, v1  }
0x247: {  	[tilespmem:v9+s1+$0x0] =	vst.idx.add.s32.msk $0xffff, v1  }
0x248: {  	[tilespmem:v8+s1+$0x0] =	vst.idx.add.s32.msk $0xffff, v1  }
0x249: {  	[tilespmem:v7+s1+$0x0] =	vst.idx.add.s32.msk $0xffff, v1  }
0x24a: {  	[tilespmem:v6+s1+$0x0] =	vst.idx.add.s32.msk $0xffff, v1  }
0x24b: {  	[tilespmem:v63+s1+$0x0] =	vst.idx.add.s32.msk $0xffff, v1  }
0x24c: {  	[tilespmem:v62+s1+$0x0] =	vst.idx.add.s32.msk $0xffff, v1  }
0x24d: {  	s2 =	simm.s32 $0x0;
	[tilespmem:v3+s1+$0x0] =	vst.idx.add.s32.msk $0xffff, v1  }
.LBB2_29:
0x24e: {  	s2 =	sadd.s32 $0x10, s2;
	[tilespmem:v2+s1+$0x0] =	vst.idx.add.s32.msk $0xffff, v1;
	s0 =	sadd.s32 $0x100, s0  }
0x24f: {  	v3 =	vld [tilespmem:s0+$0x30];
	p2 =	slt.u32 s2, $0x3F0  }
0x250: {  	v4 =	vld [tilespmem:s0+$0x40]  }
0x251: {  	v2 =	vld [tilespmem:s0+$0xFFFFFF80]  }
0x252: {  	v5 =	vld [tilespmem:s0+$0x70]  }
0x253: {  	v6 =	vld [tilespmem:s0+$0xFFFFFFD0]  }
0x254: {  	v7 =	vld [tilespmem:s0+$0xFFFFFFE0]  }
0x255: {  	v8 =	vld [tilespmem:s0+$0xFFFFFFF0]  }
0x256: {  	v9 =	vld [tilespmem:s0+$0x0]  }
0x257: {  	v10 =	vld [tilespmem:s0+$0x60]  }
0x258: {  	v11 =	vld [tilespmem:s0+$0x50]  }
0x259: {  	[tilespmem:v2+s1+$0x0] =	vst.idx.add.s32.msk $0xffff, v1  }
0x25a: {  	[tilespmem:v5+s1+$0x0] =	vst.idx.add.s32.msk $0xffff, v1  }
0x25b: {  	v2 =	vld [tilespmem:s0+$0xFFFFFF90]  }
0x25c: {  	v5 =	vld [tilespmem:s0+$0xFFFFFFA0]  }
0x25d: {  	v12 =	vld [tilespmem:s0+$0x20]  }
0x25e: {  	v13 =	vld [tilespmem:s0+$0x10]  }
0x25f: {  	[tilespmem:v10+s1+$0x0] =	vst.idx.add.s32.msk $0xffff, v1  }
0x260: {  	[tilespmem:v11+s1+$0x0] =	vst.idx.add.s32.msk $0xffff, v1  }
0x261: {  	[tilespmem:v4+s1+$0x0] =	vst.idx.add.s32.msk $0xffff, v1  }
0x262: {  	[tilespmem:v3+s1+$0x0] =	vst.idx.add.s32.msk $0xffff, v1  }
0x263: {  	v3 =	vld [tilespmem:s0+$0xFFFFFFC0]  }
0x264: {  	v4 =	vld [tilespmem:s0+$0xFFFFFFB0]  }
0x265: {  	[tilespmem:v12+s1+$0x0] =	vst.idx.add.s32.msk $0xffff, v1  }
0x266: {  	[tilespmem:v13+s1+$0x0] =	vst.idx.add.s32.msk $0xffff, v1  }
0x267: {  	[tilespmem:v9+s1+$0x0] =	vst.idx.add.s32.msk $0xffff, v1  }
0x268: {  	[tilespmem:v8+s1+$0x0] =	vst.idx.add.s32.msk $0xffff, v1  }
.Ltmp15:
0x269: {  	[tilespmem:v7+s1+$0x0] =	vst.idx.add.s32.msk $0xffff, v1;
	(pc) =	sbr.rel @p2 .LBB2_29-.Ltmp15, $4  }
0x26a: {  	[tilespmem:v6+s1+$0x0] =	vst.idx.add.s32.msk $0xffff, v1  }
0x26b: {  	[tilespmem:v3+s1+$0x0] =	vst.idx.add.s32.msk $0xffff, v1  }
0x26c: {  	[tilespmem:v4+s1+$0x0] =	vst.idx.add.s32.msk $0xffff, v1  }
0x26d: {  	[tilespmem:v5+s1+$0x0] =	vst.idx.add.s32.msk $0xffff, v1  }
0x26e: {  	p2 =	seq.s32 s30, $0x3  }
.Ltmp16:
0x26f: {  	_ = 	snop;
	(pc) =	sbr.rel @!p2 .LBB2_31-.Ltmp16, $2  }
0x270: {  	_ =	sdelay $0x2  }
0x271: {  	[tilespmem:v2+s1+$0x0] =	vst.idx.add.s32.msk $0xffff, v1  }
.Ltmp17:
0x272: {  	(pc) =	sbr.rel @p0 .LBB2_34-.Ltmp17, $4  }
.Ltmp18:
0x273: {  	(pc) =	sbr.rel @!p0 .LBB2_33-.Ltmp18, $4  }
0x274: {  	_ = 	snop  }
0x275: {  	_ = 	snop  }
0x276: {  	s0 =	smov.u32 s16  }
0x277: {  	_ = 	snop  }
.LBB2_31:
0x278: {  	s0 =	sadd.s32 $0x1000, s31  }
.LBB2_33:
0x279: {  	s0 =	sadd.s32 s3, s0  }
0x27a: {  	[tilespmem:s21], [sflag:$0x1] =	stream.linear.gather [hbm4b:s0+s1], $0x4000, $0x38;
	[tilespmem:$0x18880] =	vst v63  }
.LBB2_34:
0x27b: {  	_ =	swait.ge [sflag:s24], $0x4000  }
0x27c: {  	[sflag:s24] =	ssyncset.done $0x0  }
0x27d: {  	s0 =	simm.s32 $0x14900;
	[sflag:s24] =	ssyncadd.s32 $0xFFFFC000  }
0x27e: {  	v3 =	vld [tilespmem:s0+$0x30]  }
0x27f: {  	v4 =	vld [tilespmem:s0+$0x40]  }
0x280: {  	v2 =	vld [tilespmem:s0+$0xFFFFFF80]  }
0x281: {  	v5 =	vld [tilespmem:s0+$0x70]  }
0x282: {  	v6 =	vld [tilespmem:s0+$0xFFFFFFD0]  }
0x283: {  	v7 =	vld [tilespmem:s0+$0xFFFFFFE0]  }
0x284: {  	v8 =	vld [tilespmem:s0+$0xFFFFFFF0]  }
0x285: {  	v9 =	vld [tilespmem:s0+$0x0]  }
0x286: {  	v10 =	vld [tilespmem:s0+$0x60]  }
0x287: {  	v11 =	vld [tilespmem:s0+$0x50]  }
0x288: {  	v62 =	vld [tilespmem:s0+$0xFFFFFFA0]  }
0x289: {  	v12 =	vld [tilespmem:s0+$0x20]  }
0x28a: {  	v13 =	vld [tilespmem:s0+$0x10]  }
0x28b: {  	v63 =	vld [tilespmem:s0+$0xFFFFFFB0]  }
0x28c: {  	[tilespmem:v2+s1+$0x0] =	vst.idx.add.s32.msk $0xffff, v1  }
0x28d: {  	[tilespmem:v5+s1+$0x0] =	vst.idx.add.s32.msk $0xffff, v1  }
0x28e: {  	v2 =	vld [tilespmem:s0+$0xFFFFFF90]  }
0x28f: {  	[tilespmem:v10+s1+$0x0] =	vst.idx.add.s32.msk $0xffff, v1  }
0x290: {  	[tilespmem:v11+s1+$0x0] =	vst.idx.add.s32.msk $0xffff, v1  }
0x291: {  	[tilespmem:v4+s1+$0x0] =	vst.idx.add.s32.msk $0xffff, v1  }
0x292: {  	[tilespmem:v3+s1+$0x0] =	vst.idx.add.s32.msk $0xffff, v1  }
0x293: {  	v3 =	vld [tilespmem:s0+$0xFFFFFFC0]  }
0x294: {  	[tilespmem:v12+s1+$0x0] =	vst.idx.add.s32.msk $0xffff, v1  }
0x295: {  	[tilespmem:v13+s1+$0x0] =	vst.idx.add.s32.msk $0xffff, v1  }
0x296: {  	[tilespmem:v9+s1+$0x0] =	vst.idx.add.s32.msk $0xffff, v1  }
0x297: {  	[tilespmem:v8+s1+$0x0] =	vst.idx.add.s32.msk $0xffff, v1  }
0x298: {  	[tilespmem:v7+s1+$0x0] =	vst.idx.add.s32.msk $0xffff, v1  }
0x299: {  	[tilespmem:v6+s1+$0x0] =	vst.idx.add.s32.msk $0xffff, v1  }
0x29a: {  	[tilespmem:v63+s1+$0x0] =	vst.idx.add.s32.msk $0xffff, v1  }
0x29b: {  	[tilespmem:v62+s1+$0x0] =	vst.idx.add.s32.msk $0xffff, v1  }
0x29c: {  	s2 =	simm.s32 $0x0;
	[tilespmem:v3+s1+$0x0] =	vst.idx.add.s32.msk $0xffff, v1  }
.LBB2_35:
0x29d: {  	s2 =	sadd.s32 $0x10, s2;
	[tilespmem:v2+s1+$0x0] =	vst.idx.add.s32.msk $0xffff, v1;
	s0 =	sadd.s32 $0x100, s0  }
0x29e: {  	v3 =	vld [tilespmem:s0+$0x30];
	p2 =	slt.u32 s2, $0x3F0  }
0x29f: {  	v4 =	vld [tilespmem:s0+$0x40]  }
0x2a0: {  	v2 =	vld [tilespmem:s0+$0xFFFFFF80]  }
0x2a1: {  	v5 =	vld [tilespmem:s0+$0x70]  }
0x2a2: {  	v6 =	vld [tilespmem:s0+$0xFFFFFFD0]  }
0x2a3: {  	v7 =	vld [tilespmem:s0+$0xFFFFFFE0]  }
0x2a4: {  	v8 =	vld [tilespmem:s0+$0xFFFFFFF0]  }
0x2a5: {  	v9 =	vld [tilespmem:s0+$0x0]  }
0x2a6: {  	v10 =	vld [tilespmem:s0+$0x60]  }
0x2a7: {  	v11 =	vld [tilespmem:s0+$0x50]  }
0x2a8: {  	[tilespmem:v2+s1+$0x0] =	vst.idx.add.s32.msk $0xffff, v1  }
0x2a9: {  	[tilespmem:v5+s1+$0x0] =	vst.idx.add.s32.msk $0xffff, v1  }
0x2aa: {  	v2 =	vld [tilespmem:s0+$0xFFFFFF90]  }
0x2ab: {  	v5 =	vld [tilespmem:s0+$0xFFFFFFA0]  }
0x2ac: {  	v12 =	vld [tilespmem:s0+$0x20]  }
0x2ad: {  	v13 =	vld [tilespmem:s0+$0x10]  }
0x2ae: {  	[tilespmem:v10+s1+$0x0] =	vst.idx.add.s32.msk $0xffff, v1  }
0x2af: {  	[tilespmem:v11+s1+$0x0] =	vst.idx.add.s32.msk $0xffff, v1  }
0x2b0: {  	[tilespmem:v4+s1+$0x0] =	vst.idx.add.s32.msk $0xffff, v1  }
0x2b1: {  	[tilespmem:v3+s1+$0x0] =	vst.idx.add.s32.msk $0xffff, v1  }
0x2b2: {  	v3 =	vld [tilespmem:s0+$0xFFFFFFC0]  }
0x2b3: {  	v4 =	vld [tilespmem:s0+$0xFFFFFFB0]  }
0x2b4: {  	[tilespmem:v12+s1+$0x0] =	vst.idx.add.s32.msk $0xffff, v1  }
0x2b5: {  	[tilespmem:v13+s1+$0x0] =	vst.idx.add.s32.msk $0xffff, v1  }
0x2b6: {  	[tilespmem:v9+s1+$0x0] =	vst.idx.add.s32.msk $0xffff, v1  }
0x2b7: {  	[tilespmem:v8+s1+$0x0] =	vst.idx.add.s32.msk $0xffff, v1  }
.Ltmp19:
0x2b8: {  	[tilespmem:v7+s1+$0x0] =	vst.idx.add.s32.msk $0xffff, v1;
	(pc) =	sbr.rel @p2 .LBB2_35-.Ltmp19, $4  }
0x2b9: {  	[tilespmem:v6+s1+$0x0] =	vst.idx.add.s32.msk $0xffff, v1  }
0x2ba: {  	[tilespmem:v3+s1+$0x0] =	vst.idx.add.s32.msk $0xffff, v1  }
0x2bb: {  	[tilespmem:v4+s1+$0x0] =	vst.idx.add.s32.msk $0xffff, v1  }
0x2bc: {  	[tilespmem:v5+s1+$0x0] =	vst.idx.add.s32.msk $0xffff, v1  }
0x2bd: {  	s30 =	sadd.s32 $0x1, s30  }
0x2be: {  	p2 =	sne.s32 s30, $0x4  }
.Ltmp20:
0x2bf: {  	_ = 	snop;
	(pc) =	sbr.rel @p2 .LBB2_28-.Ltmp20, $2  }
0x2c0: {  	_ =	sdelay $0x2  }
0x2c1: {  	[tilespmem:v2+s1+$0x0] =	vst.idx.add.s32.msk $0xffff, v1  }
0x2c2: {  	[hbm4b:s17+s25] =	stream.strided.scatter [tilespmem:s1], [sflag:$0x3], $0x10880, s26, s25, $0x38;
	[tilespmem:$0x18880] =	vst v63  }
0x2c3: {  	_ =	swait.ge [sflag:s28], $0x10880  }
0x2c4: {  	[sflag:s28] =	ssyncset.done $0x0  }
0x2c5: {  	s0 =	simm.s32 $0x40;
	[sflag:s28] =	ssyncadd.s32 $0xFFFEF780  }
0x2c6: {  	[tilespmem:s0+$0xFFFFFFC0] =	vst v0  }
0x2c7: {  	[tilespmem:s0+$0x30] =	vst v0  }
0x2c8: {  	[tilespmem:s0+$0x20] =	vst v0  }
0x2c9: {  	[tilespmem:s0+$0x10] =	vst v0  }
0x2ca: {  	[tilespmem:s0+$0x0] =	vst v0  }
0x2cb: {  	[tilespmem:s0+$0xFFFFFFF0] =	vst v0  }
0x2cc: {  	s2 =	simm.s32 $0x0;
	[tilespmem:s0+$0xFFFFFFE0] =	vst v0  }
.LBB2_38:
0x2cd: {  	s2 =	sadd.s32 $0x8, s2;
	[tilespmem:s0+$0xFFFFFFD0] =	vst v0;
	s0 =	sadd.s32 $0x80, s0  }
0x2ce: {  	[tilespmem:s0+$0xFFFFFFC0] =	vst v0;
	p2 =	slt.u32 s2, $0x1078  }
0x2cf: {  	[tilespmem:s0+$0x30] =	vst v0  }
.Ltmp21:
0x2d0: {  	[tilespmem:s0+$0x20] =	vst v0;
	(pc) =	sbr.rel @p2 .LBB2_38-.Ltmp21, $4  }
0x2d1: {  	[tilespmem:s0+$0x10] =	vst v0  }
0x2d2: {  	[tilespmem:s0+$0x0] =	vst v0  }
0x2d3: {  	[tilespmem:s0+$0xFFFFFFF0] =	vst v0  }
0x2d4: {  	[tilespmem:s0+$0xFFFFFFE0] =	vst v0  }
.Ltmp22:
0x2d5: {  	(pc) =	sbr.rel @p1 .LBB2_48-.Ltmp22, $3  }
0x2d6: {  	_ =	sdelay $0x1  }
0x2d7: {  	[tilespmem:s0+$0xFFFFFFD0] =	vst v0  }
0x2d8: {  	s30 =	simm.s32 $0x0;
	[tilespmem:$0x10800] =	vst v0  }
.LBB2_40:
0x2d9: {  	s0 =	sshll.u32 s30, $0xF  }
0x2da: {  	s31 =	sadd.s32 s18, s0  }
0x2db: {  	s0 =	sshrl.u32 s31, $0x3  }
0x2dc: {  	s0 =	sadd.s32 s0, s6  }
0x2dd: {  	[tilespmem:s22], [sflag:$0x2] =	stream.linear.gather [hbm4b:s0+s1], $0x4000, $0x38;
	[tilespmem:$0x18880] =	vst v63  }
0x2de: {  	_ =	swait.ge [sflag:s23], $0x4000  }
0x2df: {  	[sflag:s23] =	ssyncset.done $0x0  }
0x2e0: {  	s0 =	simm.s32 $0x10900;
	[sflag:s23] =	ssyncadd.s32 $0xFFFFC000  }
0x2e1: {  	v3 =	vld [tilespmem:s0+$0x30]  }
0x2e2: {  	v4 =	vld [tilespmem:s0+$0x40]  }
0x2e3: {  	v2 =	vld [tilespmem:s0+$0xFFFFFF80]  }
0x2e4: {  	v5 =	vld [tilespmem:s0+$0x70]  }
0x2e5: {  	v6 =	vld [tilespmem:s0+$0xFFFFFFD0]  }
0x2e6: {  	v7 =	vld [tilespmem:s0+$0xFFFFFFE0]  }
0x2e7: {  	v8 =	vld [tilespmem:s0+$0xFFFFFFF0]  }
0x2e8: {  	v9 =	vld [tilespmem:s0+$0x0]  }
0x2e9: {  	v10 =	vld [tilespmem:s0+$0x60]  }
0x2ea: {  	v11 =	vld [tilespmem:s0+$0x50]  }
0x2eb: {  	v62 =	vld [tilespmem:s0+$0xFFFFFFA0]  }
0x2ec: {  	v12 =	vld [tilespmem:s0+$0x20]  }
0x2ed: {  	v13 =	vld [tilespmem:s0+$0x10]  }
0x2ee: {  	v63 =	vld [tilespmem:s0+$0xFFFFFFB0]  }
0x2ef: {  	[tilespmem:v2+s1+$0x0] =	vst.idx.add.s32.msk $0xffff, v1  }
0x2f0: {  	[tilespmem:v5+s1+$0x0] =	vst.idx.add.s32.msk $0xffff, v1  }
0x2f1: {  	v2 =	vld [tilespmem:s0+$0xFFFFFF90]  }
0x2f2: {  	[tilespmem:v10+s1+$0x0] =	vst.idx.add.s32.msk $0xffff, v1  }
0x2f3: {  	[tilespmem:v11+s1+$0x0] =	vst.idx.add.s32.msk $0xffff, v1  }
0x2f4: {  	[tilespmem:v4+s1+$0x0] =	vst.idx.add.s32.msk $0xffff, v1  }
0x2f5: {  	[tilespmem:v3+s1+$0x0] =	vst.idx.add.s32.msk $0xffff, v1  }
0x2f6: {  	v3 =	vld [tilespmem:s0+$0xFFFFFFC0]  }
0x2f7: {  	[tilespmem:v12+s1+$0x0] =	vst.idx.add.s32.msk $0xffff, v1  }
0x2f8: {  	[tilespmem:v13+s1+$0x0] =	vst.idx.add.s32.msk $0xffff, v1  }
0x2f9: {  	[tilespmem:v9+s1+$0x0] =	vst.idx.add.s32.msk $0xffff, v1  }
0x2fa: {  	[tilespmem:v8+s1+$0x0] =	vst.idx.add.s32.msk $0xffff, v1  }
0x2fb: {  	[tilespmem:v7+s1+$0x0] =	vst.idx.add.s32.msk $0xffff, v1  }
0x2fc: {  	[tilespmem:v6+s1+$0x0] =	vst.idx.add.s32.msk $0xffff, v1  }
0x2fd: {  	[tilespmem:v63+s1+$0x0] =	vst.idx.add.s32.msk $0xffff, v1  }
0x2fe: {  	[tilespmem:v62+s1+$0x0] =	vst.idx.add.s32.msk $0xffff, v1  }
0x2ff: {  	s2 =	simm.s32 $0x0;
	[tilespmem:v3+s1+$0x0] =	vst.idx.add.s32.msk $0xffff, v1  }
.LBB2_41:
0x300: {  	s2 =	sadd.s32 $0x10, s2;
	[tilespmem:v2+s1+$0x0] =	vst.idx.add.s32.msk $0xffff, v1;
	s0 =	sadd.s32 $0x100, s0  }
0x301: {  	v3 =	vld [tilespmem:s0+$0x30];
	p2 =	slt.u32 s2, $0x3F0  }
0x302: {  	v4 =	vld [tilespmem:s0+$0x40]  }
0x303: {  	v2 =	vld [tilespmem:s0+$0xFFFFFF80]  }
0x304: {  	v5 =	vld [tilespmem:s0+$0x70]  }
0x305: {  	v6 =	vld [tilespmem:s0+$0xFFFFFFD0]  }
0x306: {  	v7 =	vld [tilespmem:s0+$0xFFFFFFE0]  }
0x307: {  	v8 =	vld [tilespmem:s0+$0xFFFFFFF0]  }
0x308: {  	v9 =	vld [tilespmem:s0+$0x0]  }
0x309: {  	v10 =	vld [tilespmem:s0+$0x60]  }
0x30a: {  	v11 =	vld [tilespmem:s0+$0x50]  }
0x30b: {  	[tilespmem:v2+s1+$0x0] =	vst.idx.add.s32.msk $0xffff, v1  }
0x30c: {  	[tilespmem:v5+s1+$0x0] =	vst.idx.add.s32.msk $0xffff, v1  }
0x30d: {  	v2 =	vld [tilespmem:s0+$0xFFFFFF90]  }
0x30e: {  	v5 =	vld [tilespmem:s0+$0xFFFFFFA0]  }
0x30f: {  	v12 =	vld [tilespmem:s0+$0x20]  }
0x310: {  	v13 =	vld [tilespmem:s0+$0x10]  }
0x311: {  	[tilespmem:v10+s1+$0x0] =	vst.idx.add.s32.msk $0xffff, v1  }
0x312: {  	[tilespmem:v11+s1+$0x0] =	vst.idx.add.s32.msk $0xffff, v1  }
0x313: {  	[tilespmem:v4+s1+$0x0] =	vst.idx.add.s32.msk $0xffff, v1  }
0x314: {  	[tilespmem:v3+s1+$0x0] =	vst.idx.add.s32.msk $0xffff, v1  }
0x315: {  	v3 =	vld [tilespmem:s0+$0xFFFFFFC0]  }
0x316: {  	v4 =	vld [tilespmem:s0+$0xFFFFFFB0]  }
0x317: {  	[tilespmem:v12+s1+$0x0] =	vst.idx.add.s32.msk $0xffff, v1  }
0x318: {  	[tilespmem:v13+s1+$0x0] =	vst.idx.add.s32.msk $0xffff, v1  }
0x319: {  	[tilespmem:v9+s1+$0x0] =	vst.idx.add.s32.msk $0xffff, v1  }
0x31a: {  	[tilespmem:v8+s1+$0x0] =	vst.idx.add.s32.msk $0xffff, v1  }
.Ltmp23:
0x31b: {  	[tilespmem:v7+s1+$0x0] =	vst.idx.add.s32.msk $0xffff, v1;
	(pc) =	sbr.rel @p2 .LBB2_41-.Ltmp23, $4  }
0x31c: {  	[tilespmem:v6+s1+$0x0] =	vst.idx.add.s32.msk $0xffff, v1  }
0x31d: {  	[tilespmem:v3+s1+$0x0] =	vst.idx.add.s32.msk $0xffff, v1  }
0x31e: {  	[tilespmem:v4+s1+$0x0] =	vst.idx.add.s32.msk $0xffff, v1  }
0x31f: {  	[tilespmem:v5+s1+$0x0] =	vst.idx.add.s32.msk $0xffff, v1  }
0x320: {  	_ = 	snop  }
0x321: {  	p2 =	seq.s32 s30, $0x3  }
0x322: {  	s0 =	sshrl.u32 @!p2 s31, $0x3  }
0x323: {  	s0 =	sadd.s32 @!p2 s3, s0  }
0x324: {  	[tilespmem:v2+s1+$0x0] =	vst.idx.add.s32.msk $0xffff, v1;
	s2 =	simm.s32 @!p2 $0x0;
	s31 =	simm.s32 @!p2 $0x10880;
	s0 =	sadd.s32 @!p2 $0x1000, s0  }
0x325: {  	[tilespmem:s31], [sflag:$0x1] =	stream.linear.gather @!p2 [hbm4b:s0+s2], $0x4000, $0x38;
	[tilespmem:$0x18880] =	vst v63  }
0x326: {  	_ =	swait.ge [sflag:s24], $0x4000  }
0x327: {  	[sflag:s24] =	ssyncset.done $0x0  }
0x328: {  	s0 =	simm.s32 $0x14900;
	[sflag:s24] =	ssyncadd.s32 $0xFFFFC000  }
0x329: {  	v3 =	vld [tilespmem:s0+$0x30]  }
0x32a: {  	v4 =	vld [tilespmem:s0+$0x40]  }
0x32b: {  	v2 =	vld [tilespmem:s0+$0xFFFFFF80]  }
0x32c: {  	v5 =	vld [tilespmem:s0+$0x70]  }
0x32d: {  	v6 =	vld [tilespmem:s0+$0xFFFFFFD0]  }
0x32e: {  	v7 =	vld [tilespmem:s0+$0xFFFFFFE0]  }
0x32f: {  	v8 =	vld [tilespmem:s0+$0xFFFFFFF0]  }
0x330: {  	v9 =	vld [tilespmem:s0+$0x0]  }
0x331: {  	v10 =	vld [tilespmem:s0+$0x60]  }
0x332: {  	v11 =	vld [tilespmem:s0+$0x50]  }
0x333: {  	v62 =	vld [tilespmem:s0+$0xFFFFFFA0]  }
0x334: {  	v12 =	vld [tilespmem:s0+$0x20]  }
0x335: {  	v13 =	vld [tilespmem:s0+$0x10]  }
0x336: {  	v63 =	vld [tilespmem:s0+$0xFFFFFFB0]  }
0x337: {  	[tilespmem:v2+s1+$0x0] =	vst.idx.add.s32.msk $0xffff, v1  }
0x338: {  	[tilespmem:v5+s1+$0x0] =	vst.idx.add.s32.msk $0xffff, v1  }
0x339: {  	v2 =	vld [tilespmem:s0+$0xFFFFFF90]  }
0x33a: {  	[tilespmem:v10+s1+$0x0] =	vst.idx.add.s32.msk $0xffff, v1  }
0x33b: {  	[tilespmem:v11+s1+$0x0] =	vst.idx.add.s32.msk $0xffff, v1  }
0x33c: {  	[tilespmem:v4+s1+$0x0] =	vst.idx.add.s32.msk $0xffff, v1  }
0x33d: {  	[tilespmem:v3+s1+$0x0] =	vst.idx.add.s32.msk $0xffff, v1  }
0x33e: {  	v3 =	vld [tilespmem:s0+$0xFFFFFFC0]  }
0x33f: {  	[tilespmem:v12+s1+$0x0] =	vst.idx.add.s32.msk $0xffff, v1  }
0x340: {  	[tilespmem:v13+s1+$0x0] =	vst.idx.add.s32.msk $0xffff, v1  }
0x341: {  	[tilespmem:v9+s1+$0x0] =	vst.idx.add.s32.msk $0xffff, v1  }
0x342: {  	[tilespmem:v8+s1+$0x0] =	vst.idx.add.s32.msk $0xffff, v1  }
0x343: {  	[tilespmem:v7+s1+$0x0] =	vst.idx.add.s32.msk $0xffff, v1  }
0x344: {  	[tilespmem:v6+s1+$0x0] =	vst.idx.add.s32.msk $0xffff, v1  }
0x345: {  	[tilespmem:v63+s1+$0x0] =	vst.idx.add.s32.msk $0xffff, v1  }
0x346: {  	[tilespmem:v62+s1+$0x0] =	vst.idx.add.s32.msk $0xffff, v1  }
0x347: {  	s2 =	simm.s32 $0x0;
	[tilespmem:v3+s1+$0x0] =	vst.idx.add.s32.msk $0xffff, v1  }
.LBB2_43:
0x348: {  	s2 =	sadd.s32 $0x10, s2;
	[tilespmem:v2+s1+$0x0] =	vst.idx.add.s32.msk $0xffff, v1;
	s0 =	sadd.s32 $0x100, s0  }
0x349: {  	v3 =	vld [tilespmem:s0+$0x30];
	p2 =	slt.u32 s2, $0x3F0  }
0x34a: {  	v4 =	vld [tilespmem:s0+$0x40]  }
0x34b: {  	v2 =	vld [tilespmem:s0+$0xFFFFFF80]  }
0x34c: {  	v5 =	vld [tilespmem:s0+$0x70]  }
0x34d: {  	v6 =	vld [tilespmem:s0+$0xFFFFFFD0]  }
0x34e: {  	v7 =	vld [tilespmem:s0+$0xFFFFFFE0]  }
0x34f: {  	v8 =	vld [tilespmem:s0+$0xFFFFFFF0]  }
0x350: {  	v9 =	vld [tilespmem:s0+$0x0]  }
0x351: {  	v10 =	vld [tilespmem:s0+$0x60]  }
0x352: {  	v11 =	vld [tilespmem:s0+$0x50]  }
0x353: {  	[tilespmem:v2+s1+$0x0] =	vst.idx.add.s32.msk $0xffff, v1  }
0x354: {  	[tilespmem:v5+s1+$0x0] =	vst.idx.add.s32.msk $0xffff, v1  }
0x355: {  	v2 =	vld [tilespmem:s0+$0xFFFFFF90]  }
0x356: {  	v5 =	vld [tilespmem:s0+$0xFFFFFFA0]  }
0x357: {  	v12 =	vld [tilespmem:s0+$0x20]  }
0x358: {  	v13 =	vld [tilespmem:s0+$0x10]  }
0x359: {  	[tilespmem:v10+s1+$0x0] =	vst.idx.add.s32.msk $0xffff, v1  }
0x35a: {  	[tilespmem:v11+s1+$0x0] =	vst.idx.add.s32.msk $0xffff, v1  }
0x35b: {  	[tilespmem:v4+s1+$0x0] =	vst.idx.add.s32.msk $0xffff, v1  }
0x35c: {  	[tilespmem:v3+s1+$0x0] =	vst.idx.add.s32.msk $0xffff, v1  }
0x35d: {  	v3 =	vld [tilespmem:s0+$0xFFFFFFC0]  }
0x35e: {  	v4 =	vld [tilespmem:s0+$0xFFFFFFB0]  }
0x35f: {  	[tilespmem:v12+s1+$0x0] =	vst.idx.add.s32.msk $0xffff, v1  }
0x360: {  	[tilespmem:v13+s1+$0x0] =	vst.idx.add.s32.msk $0xffff, v1  }
0x361: {  	[tilespmem:v9+s1+$0x0] =	vst.idx.add.s32.msk $0xffff, v1  }
0x362: {  	[tilespmem:v8+s1+$0x0] =	vst.idx.add.s32.msk $0xffff, v1  }
.Ltmp24:
0x363: {  	[tilespmem:v7+s1+$0x0] =	vst.idx.add.s32.msk $0xffff, v1;
	(pc) =	sbr.rel @p2 .LBB2_43-.Ltmp24, $4  }
0x364: {  	[tilespmem:v6+s1+$0x0] =	vst.idx.add.s32.msk $0xffff, v1  }
0x365: {  	[tilespmem:v3+s1+$0x0] =	vst.idx.add.s32.msk $0xffff, v1  }
0x366: {  	[tilespmem:v4+s1+$0x0] =	vst.idx.add.s32.msk $0xffff, v1  }
0x367: {  	[tilespmem:v5+s1+$0x0] =	vst.idx.add.s32.msk $0xffff, v1  }
0x368: {  	s30 =	sadd.s32 $0x1, s30  }
0x369: {  	p2 =	sne.s32 s30, $0x4  }
.Ltmp25:
0x36a: {  	_ = 	snop;
	(pc) =	sbr.rel @p2 .LBB2_40-.Ltmp25, $2  }
0x36b: {  	_ =	sdelay $0x2  }
0x36c: {  	[tilespmem:v2+s1+$0x0] =	vst.idx.add.s32.msk $0xffff, v1  }
0x36d: {  	[hbm4b:s19+s25] =	stream.strided.scatter [tilespmem:s1], [sflag:$0x3], $0x10880, s26, s25, $0x38;
	[tilespmem:$0x18880] =	vst v63  }
0x36e: {  	_ =	swait.ge [sflag:s28], $0x10880  }
0x36f: {  	[sflag:s28] =	ssyncset.done $0x0  }
0x370: {  	s0 =	simm.s32 $0x40;
	[sflag:s28] =	ssyncadd.s32 $0xFFFEF780  }
0x371: {  	[tilespmem:s0+$0xFFFFFFC0] =	vst v0  }
0x372: {  	[tilespmem:s0+$0x30] =	vst v0  }
0x373: {  	[tilespmem:s0+$0x20] =	vst v0  }
0x374: {  	[tilespmem:s0+$0x10] =	vst v0  }
0x375: {  	[tilespmem:s0+$0x0] =	vst v0  }
0x376: {  	[tilespmem:s0+$0xFFFFFFF0] =	vst v0  }
0x377: {  	s2 =	simm.s32 $0x0;
	[tilespmem:s0+$0xFFFFFFE0] =	vst v0  }
.LBB2_46:
0x378: {  	s2 =	sadd.s32 $0x8, s2;
	[tilespmem:s0+$0xFFFFFFD0] =	vst v0;
	s0 =	sadd.s32 $0x80, s0  }
0x379: {  	[tilespmem:s0+$0xFFFFFFC0] =	vst v0;
	p2 =	slt.u32 s2, $0x1078  }
0x37a: {  	[tilespmem:s0+$0x30] =	vst v0  }
.Ltmp26:
0x37b: {  	[tilespmem:s0+$0x20] =	vst v0;
	(pc) =	sbr.rel @p2 .LBB2_46-.Ltmp26, $4  }
0x37c: {  	[tilespmem:s0+$0x10] =	vst v0  }
0x37d: {  	[tilespmem:s0+$0x0] =	vst v0  }
0x37e: {  	[tilespmem:s0+$0xFFFFFFF0] =	vst v0  }
0x37f: {  	[tilespmem:s0+$0xFFFFFFE0] =	vst v0  }
.Ltmp27:
0x380: {  	(pc) =	sbr.rel .LBB2_48-.Ltmp27, $3  }
0x381: {  	_ =	sdelay $0x1  }
0x382: {  	[tilespmem:s0+$0xFFFFFFD0] =	vst v0  }
0x383: {  	[tilespmem:$0x10800] =	vst v0  }
.LBB2_49:
0x384: {  	_ =	sfence.sel $0x180000  }
0x385: {  	[bflag:$0x0] =	sbarrier.arrive $0xFFFF  }
0x386: {  	_ =	strace $0x90000047  }
0x387: {  	s0 =	stileid.u32;
	[bflag:$0x2] =	sbarrier.arrive $0xFFFF  }
0x388: {  	p0 =	sne.s32 s0, $0x0;
	s0 =	rddreg [dreg:$0x1]  }
0x389: {  	s0 =	sadd.s32 @!p0 $0x100000, s0  }
0x38a: {  	[sflag:s0] =	ssyncadd.tile.s32 @!p0 $0x1;
	_ =	shalt  }
.Lfunc_end2:
_tile_overlayer_lowered:
.L_overlay_start_2:
0x38b: {  	(tag) =	ssettag $0x2  }
0x38c: {  	s0 =	rddreg [dreg:$0x0];
	s2 =	stileid.u32  }
0x38d: {  	s1 =	rddreg [dreg:$0x1];
	p0 =	sne.s32 s2, $0x0  }
0x38e: {  	s3 =	rddreg [dreg:$0x2];
	[bflag:$0x3] =	sbarrier.arrive $0xFFFF;
	s2 =	simm.s32 @!p0 $0x1C03  }
0x38f: {  	[timem:s3], [sflag:s2] =	dma.local @!p0 [hbm:s0], s1  }
0x390: {  	s0 =	simm.s32 @!p0 $0x3  }
0x391: {  	_ =	swait.ge @!p0 [sflag:s0], s1  }
0x392: {  	s1 =	ssub.s32 @!p0 $0x0, s1;
	[sflag:s0] =	ssyncset.done @!p0 $0x0  }
0x393: {  	[sflag:s0] =	ssyncadd.s32 @!p0 s1  }
0x394: {  	[bflag:$0x3] =	sbarrier.arrive $0xFFFF  }
0x395: {  	_ =	shalt  }

</sc_bundles>
